<compile_context>
chip_gen: v7x
topology: tpu7x:2x2x1
jax: 0.10.2.dev20260603
libtpu: 0.0.44.dev20260713+nightly
codegen_flags: <defaults>
</compile_context>

<pallas_src>
import functools

import jax
import jax.numpy as jnp
from jax import lax
from jax.experimental import pallas as pl
from jax.experimental.pallas import tpu as pltpu
from jax.experimental.pallas import tpu_sc as plsc

_F = 26
_V = 100000
_D = 32
_B = 4096

_INFO = plsc.get_sparse_core_info()
_NC = _INFO.num_cores
_NS = _INFO.num_subcores
_L = _INFO.num_lanes
_NW = _NC * _NS

_CH = 2048
_NFULL = _V // _CH
_T48 = 1664
_VT = _V - 32
_NCHUNK = _NFULL + 2
_ROWS = _F * _D
_UNITS = _F * (_D // 8)
_BV = _B // _L


def _zero16():
    return jnp.zeros((_L,), jnp.int32)


def _bucket(v):
    base = jnp.minimum(lax.shift_right_logical(v, 11), 48)
    return base + (v >= _VT).astype(jnp.int32)


def _body(tabv, tail_hbm, idx_hbm, outT, vcol_v, off_v, vs_v, bs_v, st_v,
          ck0_v, ck1_v, ck2_v, tl_v, tp_v, blk_v, csem, wsem):
    cid = lax.axis_index("c")
    sid = lax.axis_index("s")
    wid = sid * _NC + cid
    lane = lax.iota(jnp.int32, _L)

    def sort_field(f):
        def zrow(r, c):
            off_v[r, pl.ds(0, _L)] = _zero16()
            return c
        lax.fori_loop(0, 64, zrow, 0)

        pltpu.sync_copy(idx_hbm.at[pl.ds(f * _B, _B)], vcol_v)

        def hist(k, c):
            v = vcol_v[pl.ds(k * _L, _L)]
            cv = _bucket(v)
            plsc.addupdate_scatter(off_v, [cv, lane], _zero16() + 1)
            return c

        lax.fori_loop(0, _BV, hist, 0)

        def scan_row(r, carry):
            cnt = off_v[r, pl.ds(0, _L)]
            inc = plsc.cumsum(cnt)
            exc = inc - cnt + carry
            off_v[r, pl.ds(0, _L)] = exc
            last = inc[_L - 1]
            return carry + last

        lax.fori_loop(0, 64, scan_row, jnp.int32(0))

        def starts(q, c):
            cv = q * _L + lane
            st_v[pl.ds(q * _L, _L)] = plsc.load_gather(off_v, [cv, _zero16()])
            return c

        lax.fori_loop(0, 64 // _L, starts, 0)

        def place(k, c):
            v = vcol_v[pl.ds(k * _L, _L)]
            cv = _bucket(v)
            pos = plsc.load_gather(off_v, [cv, lane])
            plsc.store_scatter(vs_v, [pos], v)
            plsc.store_scatter(bs_v, [pos], k * _L + lane)
            plsc.addupdate_scatter(off_v, [cv, lane], _zero16() + 1)
            return c

        lax.fori_loop(0, _BV, place, 0)

    def do_unit(u):
        f = lax.div(u, 4)
        g = lax.rem(u, 4)
        row0 = f * _D + g * 8

        sort_field(f)

        def start_full(c, buf):
            pltpu.make_async_copy(
                tabv.at[pl.ds(row0, 8), pl.ds(c * _CH, _CH)], buf,
                csem).start()

        def wait_full(c, buf):
            pltpu.make_async_copy(
                tabv.at[pl.ds(row0, 8), pl.ds(c * _CH, _CH)], buf,
                csem).wait()

        def extract(c, lo, sz, buf):
            svec = plsc.load_gather(st_v, [_zero16() + c + lane])
            s_c = svec[0]
            e_c = svec[1]

            def ext_block(i, cc):
                base = i * _L
                v = vs_v[pl.ds(base, _L)]
                b = bs_v[pl.ds(base, _L)]
                inb = jnp.logical_and(v >= lo, v < lo + sz)
                col = jnp.clip(v - lo, 0, sz - 1)
                for sub in range(8):
                    vals = plsc.load_gather(buf, [_zero16() + sub, col],
                                            mask=inb)
                    plsc.store_scatter(blk_v, [_zero16() + sub, b], vals,
                                       mask=inb)
                return cc

            lax.fori_loop(lax.div(s_c, _L), lax.div(e_c + _L - 1, _L),
                          ext_block, 0)

        start_full(0, ck0_v)
        start_full(1, ck1_v)
        pltpu.make_async_copy(
            tabv.at[pl.ds(row0, 8), pl.ds(_NFULL * _CH, _T48)], tl_v,
            wsem).start()
        pltpu.make_async_copy(
            tail_hbm.at[pl.ds(row0, 8), pl.ds(0, 128)], tp_v, wsem).start()

        def triple(j, c):
            c0 = 3 * j
            start_full(c0 + 2, ck2_v)
            wait_full(c0, ck0_v)
            extract(c0, c0 * _CH, _CH, ck0_v)

            @pl.when(c0 + 3 < _NFULL)
            def _():
                start_full(c0 + 3, ck0_v)

            wait_full(c0 + 1, ck1_v)
            extract(c0 + 1, (c0 + 1) * _CH, _CH, ck1_v)

            @pl.when(c0 + 4 < _NFULL)
            def _():
                start_full(c0 + 4, ck1_v)

            wait_full(c0 + 2, ck2_v)
            extract(c0 + 2, (c0 + 2) * _CH, _CH, ck2_v)
            return c

        lax.fori_loop(0, _NFULL // 3, triple, 0)

        pltpu.make_async_copy(
            tabv.at[pl.ds(row0, 8), pl.ds(_NFULL * _CH, _T48)], tl_v,
            wsem).wait()
        extract(_NFULL, _NFULL * _CH, _T48, tl_v)
        pltpu.make_async_copy(
            tail_hbm.at[pl.ds(row0, 8), pl.ds(0, 128)], tp_v, wsem).wait()
        extract(_NFULL + 1, _VT, 32, tp_v)

        pltpu.make_async_copy(
            blk_v, outT.at[f, pl.ds(g * 8, 8), pl.ds(0, _B)], wsem,
        ).start()
        pltpu.make_async_copy(
            blk_v, outT.at[f, pl.ds(g * 8, 8), pl.ds(0, _B)], wsem,
        ).wait()

    def unit_loop(i, c):
        u = wid + 32 * i

        @pl.when(u < _UNITS)
        def _():
            do_unit(u)

        return c

    lax.fori_loop(0, 4, unit_loop, 0)


_sc_sweep = functools.partial(
    pl.kernel,
    mesh=plsc.VectorSubcoreMesh(core_axis_name="c", subcore_axis_name="s"),
    compiler_params=pltpu.CompilerParams(
        use_tc_tiling_on_sc=True, needs_layout_passes=False),
    out_type=jax.ShapeDtypeStruct((_F, _D, _B), jnp.float32),
    scratch_types=[
        pltpu.VMEM((_B,), jnp.int32),
        pltpu.VMEM((64, _L), jnp.int32),
        pltpu.VMEM((_B,), jnp.int32),
        pltpu.VMEM((_B,), jnp.int32),
        pltpu.VMEM((80,), jnp.int32),
        pltpu.VMEM((8, _CH), jnp.float32),
        pltpu.VMEM((8, _CH), jnp.float32),
        pltpu.VMEM((8, _CH), jnp.float32),
        pltpu.VMEM((8, _T48), jnp.float32),
        pltpu.VMEM((8, 128), jnp.float32),
        pltpu.VMEM((8, _B), jnp.float32),
        pltpu.SemaphoreType.DMA,
        pltpu.SemaphoreType.DMA,
    ],
)(_body)


@jax.jit
def kernel(indices, tables):
    tabv = jnp.transpose(tables, (0, 2, 1)).reshape(_ROWS, _V)
    tail = jnp.pad(jnp.transpose(tables[:, _VT:, :], (0, 2, 1)),
                   ((0, 0), (0, 0), (0, 96))).reshape(_ROWS, 128)
    outT = _sc_sweep(tabv, tail, jnp.transpose(indices).reshape(_F * _B))
    return jnp.transpose(outT, (2, 0, 1))

# --- scband reference (transcript-rebuilt; emitter-appended) ---
"""Pipeline reference for scband-embedding-layer-53790170415285 (READ-ONLY COPY).

The authoritative reference and input builder live on the scoring server;
editing this copy changes nothing except your own understanding.
"""

import jax, jax.numpy as jnp
import numpy as np

N_FIELDS = 26
VOCAB = 100000
EMBED_DIM = 32
BATCH = 4096


def setup_inputs(seed: int = 0) -> dict:
    key = jax.random.key(seed)
    k1, k2 = jax.random.split(key)
    # per-field categorical ids; dict-of-features flattened to a single [B, F] tensor
    indices = jax.random.randint(k1, (BATCH, N_FIELDS), 0, VOCAB, dtype=jnp.int32)
    # one embedding table per field, stacked: [F, VOCAB, D]
    tables = jax.random.normal(k2, (N_FIELDS, VOCAB, EMBED_DIM), dtype=jnp.float32) * 0.02
    return {"indices": indices, "tables": tables}


def reference(indices, tables):
    # EmbeddingDictLayer: for each feature name, gather from its own table.
    # Equivalent vectorized form: out[b, f, :] = tables[f, indices[b, f], :]
    field_ids = jnp.arange(N_FIELDS)[None, :]  # [1, F]
    out = tables[field_ids, indices]  # [B, F, D]
    return out

if __name__ == "__main__":
    import jax
    _d = setup_inputs()
    print(jax.jit(kernel)(*tuple(_d.values())))

</pallas_src>

<mosaic_0001>
#map = affine_map<(d0, d1) -> (0, 0)>
#map1 = affine_map<(d0, d1) -> (0)>
#map2 = affine_map<(d0, d1) -> (0, 0, 0)>
module attributes {stable_mosaic.version = 14 : i64} {
  func.func @_body(%arg0: i32, %arg1: i32, %arg2: memref<832x100000xf32, #tpu.memory_space<hbm>>, %arg3: memref<832x128xf32, #tpu.memory_space<hbm>>, %arg4: memref<106496xi32, #tpu.memory_space<hbm>>, %arg5: memref<26x32x4096xf32, #tpu.memory_space<hbm>>, %arg6: memref<4096xi32, #tpu.memory_space<vmem>>, %arg7: memref<64x16xi32, #tpu.memory_space<vmem>>, %arg8: memref<4096xi32, #tpu.memory_space<vmem>>, %arg9: memref<4096xi32, #tpu.memory_space<vmem>>, %arg10: memref<80xi32, #tpu.memory_space<vmem>>, %arg11: memref<8x2048xf32, #tpu.memory_space<vmem>>, %arg12: memref<8x2048xf32, #tpu.memory_space<vmem>>, %arg13: memref<8x2048xf32, #tpu.memory_space<vmem>>, %arg14: memref<8x1664xf32, #tpu.memory_space<vmem>>, %arg15: memref<8x128xf32, #tpu.memory_space<vmem>>, %arg16: memref<8x4096xf32, #tpu.memory_space<vmem>>, %arg17: memref<!tpu.dma_semaphore, #tpu.memory_space<semaphore_mem>>, %arg18: memref<!tpu.dma_semaphore, #tpu.memory_space<semaphore_mem>>) attributes {dimension_semantics = [#tpu.dimension_semantics<core_parallel>, #tpu.dimension_semantics<subcore_parallel>], iteration_bounds = array<i64: 2, 16>, scalar_prefetch = 0 : i64, scratch_operands = 13 : i64, tpu.core_type = #tpu.core_type<sc_vector_subcore>, window_params = [{transform_indices = #map}, {transform_indices = #map}, {transform_indices = #map1}, {transform_indices = #map2}]} {
    %mul3A = arith.constant 2 : i32
    %mul3A_0 = arith.muli %arg1, %mul3A : i32
    %add3A = arith.addi %mul3A_0, %arg0 : i32
    %iota3A = tpu.iota {dimensions = array<i32: 0>} : vector<16xi32>
    %scan3A = arith.constant 0 : i32
    %scan3A_1 = arith.constant 0 : i32
    %scan3A_2 = arith.constant 4 : i32
    %scan3A_3 = arith.addi %scan3A_1, %scan3A_2 : i32
    %scan3A_4 = arith.constant 1 : i32
    scf.for %scan3A_6 = %scan3A_1 to %scan3A_3 step %scan3A_4  : i32 {
      %mul3A_7 = arith.constant 32 : i32
      %mul3A_8 = arith.muli %mul3A_7, %scan3A_6 : i32
      %add3A_9 = arith.addi %add3A, %mul3A_8 : i32
      %lt3A = arith.constant 104 : i32
      %lt3A_10 = arith.cmpi slt, %add3A_9, %lt3A : i32
      %convert_element_type3A = arith.extui %lt3A_10 : i1 to i32
      %cond3A = arith.constant 0 : i32
      %cond3A_11 = arith.cmpi ne, %convert_element_type3A, %cond3A : i32
      scf.if %cond3A_11 {
        %div3A = arith.constant 4 : i32
        %div3A_12 = arith.divsi %add3A_9, %div3A : i32
        %rem3A = arith.constant 4 : i32
        %rem3A_13 = arith.remsi %add3A_9, %rem3A : i32
        %mul3A_14 = arith.constant 32 : i32
        %mul3A_15 = arith.muli %div3A_12, %mul3A_14 : i32
        %mul3A_16 = arith.constant 8 : i32
        %mul3A_17 = arith.muli %rem3A_13, %mul3A_16 : i32
        %add3A_18 = arith.addi %mul3A_15, %mul3A_17 : i32
        %scan3A_19 = arith.constant 0 : i32
        %scan3A_20 = arith.constant 0 : i32
        %scan3A_21 = arith.constant 64 : i32
        %scan3A_22 = arith.addi %scan3A_20, %scan3A_21 : i32
        %scan3A_23 = arith.constant 1 : i32
        scf.for %scan3A_146 = %scan3A_20 to %scan3A_22 step %scan3A_23  : i32 {
          %broadcast_in_dim3A_147 = arith.constant 0 : i32
          %broadcast_in_dim3A_148 = vector.broadcast %broadcast_in_dim3A_147 : i32 to vector<16xi32>
          %swap3A = arith.index_cast %scan3A_146 : i32 to index
          %swap3A_149 = arith.constant 0 : index
          %swap3A_150 = tpu.vector_load %arg7[%swap3A, %swap3A_149] {strides = array<i32>} : memref<64x16xi32, #tpu.memory_space<vmem>>, vector<16xi32>,
          tpu.vector_store %arg7[%swap3A, %swap3A_149], %broadcast_in_dim3A_148 {strides = array<i32>} : memref<64x16xi32, #tpu.memory_space<vmem>>, vector<16xi32>,
        }
        %scan3A_24 = arith.constant 64 : i32
        %mul3A_25 = arith.constant 4096 : i32
        %mul3A_26 = arith.muli %div3A_12, %mul3A_25 : i32
        "tpu.region"() ({
          %run_scoped3A = tpu.sem_alloc : memref<!tpu.dma_semaphore, #tpu.memory_space<semaphore_mem>>
          %dma_start3A_146 = tpu.memref_slice %arg4[%mul3A_26] : memref<106496xi32, #tpu.memory_space<hbm>> -> memref<4096xi32, #tpu.memory_space<hbm>>
          %dma_start3A_147 = tpu.memref_slice %arg4[%mul3A_26] : memref<106496xi32, #tpu.memory_space<hbm>> -> memref<4096xi32, #tpu.memory_space<hbm>>
          tpu.enqueue_dma source(%dma_start3A_147 : memref<4096xi32, #tpu.memory_space<hbm>>) target(%arg6 : memref<4096xi32, #tpu.memory_space<vmem>>) target_semaphore(%run_scoped3A : memref<!tpu.dma_semaphore, #tpu.memory_space<semaphore_mem>>)
          %dma_wait3A_148 = tpu.memref_slice %arg4[%mul3A_26] : memref<106496xi32, #tpu.memory_space<hbm>> -> memref<4096xi32, #tpu.memory_space<hbm>>
          %dma_wait3A_149 = tpu.memref_slice %arg4[%mul3A_26] : memref<106496xi32, #tpu.memory_space<hbm>> -> memref<4096xi32, #tpu.memory_space<hbm>>
          tpu.wait_dma2 semaphore(%run_scoped3A : memref<!tpu.dma_semaphore, #tpu.memory_space<semaphore_mem>>) src(%dma_wait3A_149 : memref<4096xi32, #tpu.memory_space<hbm>>) dst(%arg6 : memref<4096xi32, #tpu.memory_space<vmem>>)
          tpu.yield
        }) : () -> ()
        %scan3A_27 = arith.constant 0 : i32
        %scan3A_28 = arith.constant 0 : i32
        %scan3A_29 = arith.constant 256 : i32
        %scan3A_30 = arith.addi %scan3A_28, %scan3A_29 : i32
        %scan3A_31 = arith.constant 1 : i32
        scf.for %scan3A_146 = %scan3A_28 to %scan3A_30 step %scan3A_31  : i32 {
          %mul3A_147 = arith.constant 16 : i32
          %mul3A_148 = arith.muli %scan3A_146, %mul3A_147 : i32
          %get3A = arith.index_cast %mul3A_148 : i32 to index
          %get3A_149 = tpu.vector_load %arg6[%get3A] {strides = array<i32>} : memref<4096xi32, #tpu.memory_space<vmem>>, vector<16xi32>,
          %shift_right_logical3A = arith.constant 11 : i32
          %shift_right_logical3A_150 = vector.broadcast %shift_right_logical3A : i32 to vector<16xi32>
          %shift_right_logical3A_151 = arith.shrui %get3A_149, %shift_right_logical3A_150 : vector<16xi32>
          %min3A = arith.constant 48 : i32
          %min3A_152 = vector.broadcast %min3A : i32 to vector<16xi32>
          %min3A_153 = arith.minsi %shift_right_logical3A_151, %min3A_152 : vector<16xi32>
          %ge3A = arith.constant 99968 : i32
          %ge3A_154 = vector.broadcast %ge3A : i32 to vector<16xi32>
          %ge3A_155 = arith.cmpi sge, %get3A_149, %ge3A_154 : vector<16xi32>
          %convert_element_type3A_156 = arith.extui %ge3A_155 : vector<16xi1> to vector<16xi32>
          %add3A_157 = arith.addi %min3A_153, %convert_element_type3A_156 : vector<16xi32>
          %broadcast_in_dim3A_158 = arith.constant 0 : i32
          %broadcast_in_dim3A_159 = vector.broadcast %broadcast_in_dim3A_158 : i32 to vector<16xi32>
          %add3A_160 = arith.constant 1 : i32
          %add3A_161 = vector.broadcast %add3A_160 : i32 to vector<16xi32>
          %add3A_162 = arith.addi %broadcast_in_dim3A_159, %add3A_161 : vector<16xi32>
          tpu.vector_store_idx %arg7[%add3A_157, %iota3A], %add3A_162 {add = true} : memref<64x16xi32, #tpu.memory_space<vmem>>[vector<16xi32>, vector<16xi32>], vector<16xi32>,
        }
        %scan3A_32 = arith.constant 256 : i32
        %scan3A_33 = arith.constant 0 : i32
        %scan3A_34 = arith.constant 0 : i32
        %scan3A_35 = arith.constant 64 : i32
        %scan3A_36 = arith.addi %scan3A_34, %scan3A_35 : i32
        %scan3A_37 = arith.constant 1 : i32
        %scan3A_38 = scf.for %scan3A_146 = %scan3A_34 to %scan3A_36 step %scan3A_37 iter_args(%scan3A_147 = %scan3A_33) -> (i32)  : i32 {
          %get3A = arith.index_cast %scan3A_146 : i32 to index
          %get3A_148 = arith.constant 0 : index
          %get3A_149 = tpu.vector_load %arg7[%get3A, %get3A_148] {strides = array<i32>} : memref<64x16xi32, #tpu.memory_space<vmem>>, vector<16xi32>,
          %broadcast_in_dim3A_150 = arith.constant true
          %broadcast_in_dim3A_151 = vector.broadcast %broadcast_in_dim3A_150 : i1 to vector<16xi1>
          %masked_cumsum3A = tpu.scan <sum>, %get3A_149 masked %broadcast_in_dim3A_151 : vector<16xi32>, vector<16xi1> -> vector<16xi32>
          %sub3A_152 = arith.subi %masked_cumsum3A, %get3A_149 : vector<16xi32>
          %add3A_153 = vector.broadcast %scan3A_147 : i32 to vector<16xi32>
          %add3A_154 = arith.addi %sub3A_152, %add3A_153 : vector<16xi32>
          %swap3A = arith.index_cast %scan3A_146 : i32 to index
          %swap3A_155 = arith.constant 0 : index
          %swap3A_156 = tpu.vector_load %arg7[%swap3A, %swap3A_155] {strides = array<i32>} : memref<64x16xi32, #tpu.memory_space<vmem>>, vector<16xi32>,
          tpu.vector_store %arg7[%swap3A, %swap3A_155], %add3A_154 {strides = array<i32>} : memref<64x16xi32, #tpu.memory_space<vmem>>, vector<16xi32>,
          %slice3A_157 = vector.extract_strided_slice %masked_cumsum3A {offsets = [15], sizes = [1], strides = [1]} : vector<16xi32> to vector<1xi32>
          %squeeze3A_158 = vector.extract %slice3A_157[0] : i32 from vector<1xi32>
          %add3A_159 = arith.addi %scan3A_147, %squeeze3A_158 : i32
          scf.yield %add3A_159 : i32
        }
        %scan3A_39 = arith.constant 64 : i32
        %scan3A_40 = arith.constant 0 : i32
        %scan3A_41 = arith.constant 0 : i32
        %scan3A_42 = arith.constant 4 : i32
        %scan3A_43 = arith.addi %scan3A_41, %scan3A_42 : i32
        %scan3A_44 = arith.constant 1 : i32
        scf.for %scan3A_146 = %scan3A_41 to %scan3A_43 step %scan3A_44  : i32 {
          %mul3A_147 = arith.constant 16 : i32
          %mul3A_148 = arith.muli %scan3A_146, %mul3A_147 : i32
          %add3A_149 = vector.broadcast %mul3A_148 : i32 to vector<16xi32>
          %add3A_150 = arith.addi %add3A_149, %iota3A : vector<16xi32>
          %broadcast_in_dim3A_151 = arith.constant 0 : i32
          %broadcast_in_dim3A_152 = vector.broadcast %broadcast_in_dim3A_151 : i32 to vector<16xi32>
          %gather3A_153 = tpu.vector_load_idx %arg7[%add3A_150, %broadcast_in_dim3A_152] : memref<64x16xi32, #tpu.memory_space<vmem>>[vector<16xi32>, vector<16xi32>], vector<16xi32>,
          %mul3A_154 = arith.constant 16 : i32
          %mul3A_155 = arith.muli %scan3A_146, %mul3A_154 : i32
          %swap3A = arith.index_cast %mul3A_155 : i32 to index
          %swap3A_156 = tpu.vector_load %arg10[%swap3A] {strides = array<i32>} : memref<80xi32, #tpu.memory_space<vmem>>, vector<16xi32>,
          tpu.vector_store %arg10[%swap3A], %gather3A_153 {strides = array<i32>} : memref<80xi32, #tpu.memory_space<vmem>>, vector<16xi32>,
        }
        %scan3A_45 = arith.constant 4 : i32
        %scan3A_46 = arith.constant 0 : i32
        %scan3A_47 = arith.constant 0 : i32
        %scan3A_48 = arith.constant 256 : i32
        %scan3A_49 = arith.addi %scan3A_47, %scan3A_48 : i32
        %scan3A_50 = arith.constant 1 : i32
        scf.for %scan3A_146 = %scan3A_47 to %scan3A_49 step %scan3A_50  : i32 {
          %mul3A_147 = arith.constant 16 : i32
          %mul3A_148 = arith.muli %scan3A_146, %mul3A_147 : i32
          %get3A = arith.index_cast %mul3A_148 : i32 to index
          %get3A_149 = tpu.vector_load %arg6[%get3A] {strides = array<i32>} : memref<4096xi32, #tpu.memory_space<vmem>>, vector<16xi32>,
          %shift_right_logical3A = arith.constant 11 : i32
          %shift_right_logical3A_150 = vector.broadcast %shift_right_logical3A : i32 to vector<16xi32>
          %shift_right_logical3A_151 = arith.shrui %get3A_149, %shift_right_logical3A_150 : vector<16xi32>
          %min3A = arith.constant 48 : i32
          %min3A_152 = vector.broadcast %min3A : i32 to vector<16xi32>
          %min3A_153 = arith.minsi %shift_right_logical3A_151, %min3A_152 : vector<16xi32>
          %ge3A = arith.constant 99968 : i32
          %ge3A_154 = vector.broadcast %ge3A : i32 to vector<16xi32>
          %ge3A_155 = arith.cmpi sge, %get3A_149, %ge3A_154 : vector<16xi32>
          %convert_element_type3A_156 = arith.extui %ge3A_155 : vector<16xi1> to vector<16xi32>
          %add3A_157 = arith.addi %min3A_153, %convert_element_type3A_156 : vector<16xi32>
          %gather3A_158 = tpu.vector_load_idx %arg7[%add3A_157, %iota3A] : memref<64x16xi32, #tpu.memory_space<vmem>>[vector<16xi32>, vector<16xi32>], vector<16xi32>,
          tpu.vector_store_idx %arg8[%gather3A_158], %get3A_149 : memref<4096xi32, #tpu.memory_space<vmem>>[vector<16xi32>], vector<16xi32>,
          %mul3A_159 = arith.constant 16 : i32
          %mul3A_160 = arith.muli %scan3A_146, %mul3A_159 : i32
          %add3A_161 = vector.broadcast %mul3A_160 : i32 to vector<16xi32>
          %add3A_162 = arith.addi %add3A_161, %iota3A : vector<16xi32>
          tpu.vector_store_idx %arg9[%gather3A_158], %add3A_162 : memref<4096xi32, #tpu.memory_space<vmem>>[vector<16xi32>], vector<16xi32>,
          %broadcast_in_dim3A_163 = arith.constant 0 : i32
          %broadcast_in_dim3A_164 = vector.broadcast %broadcast_in_dim3A_163 : i32 to vector<16xi32>
          %add3A_165 = arith.constant 1 : i32
          %add3A_166 = vector.broadcast %add3A_165 : i32 to vector<16xi32>
          %add3A_167 = arith.addi %broadcast_in_dim3A_164, %add3A_166 : vector<16xi32>
          tpu.vector_store_idx %arg7[%add3A_157, %iota3A], %add3A_167 {add = true} : memref<64x16xi32, #tpu.memory_space<vmem>>[vector<16xi32>, vector<16xi32>], vector<16xi32>,
        }
        %scan3A_51 = arith.constant 256 : i32
        %dma_start3A = arith.constant 0 : i32
        %dma_start3A_52 = tpu.memref_slice %arg2[%add3A_18, %dma_start3A] : memref<832x100000xf32, #tpu.memory_space<hbm>> -> memref<8x2048xf32, #tpu.memory_space<hbm>>
        %dma_start3A_53 = arith.constant 0 : i32
        %dma_start3A_54 = tpu.memref_slice %arg2[%add3A_18, %dma_start3A_53] : memref<832x100000xf32, #tpu.memory_space<hbm>> -> memref<8x2048xf32, #tpu.memory_space<hbm>>
        tpu.enqueue_dma source(%dma_start3A_54 : memref<8x2048xf32, #tpu.memory_space<hbm>>) target(%arg11 : memref<8x2048xf32, #tpu.memory_space<vmem>>) target_semaphore(%arg17 : memref<!tpu.dma_semaphore, #tpu.memory_space<semaphore_mem>>)
        %dma_start3A_55 = arith.constant 2048 : i32
        %dma_start3A_56 = tpu.memref_slice %arg2[%add3A_18, %dma_start3A_55] : memref<832x100000xf32, #tpu.memory_space<hbm>> -> memref<8x2048xf32, #tpu.memory_space<hbm>>
        %dma_start3A_57 = arith.constant 2048 : i32
        %dma_start3A_58 = tpu.memref_slice %arg2[%add3A_18, %dma_start3A_57] : memref<832x100000xf32, #tpu.memory_space<hbm>> -> memref<8x2048xf32, #tpu.memory_space<hbm>>
        tpu.enqueue_dma source(%dma_start3A_58 : memref<8x2048xf32, #tpu.memory_space<hbm>>) target(%arg12 : memref<8x2048xf32, #tpu.memory_space<vmem>>) target_semaphore(%arg17 : memref<!tpu.dma_semaphore, #tpu.memory_space<semaphore_mem>>)
        %dma_start3A_59 = arith.constant 98304 : i32
        %dma_start3A_60 = tpu.memref_slice %arg2[%add3A_18, %dma_start3A_59] : memref<832x100000xf32, #tpu.memory_space<hbm>> -> memref<8x1664xf32, #tpu.memory_space<hbm>>
        %dma_start3A_61 = arith.constant 98304 : i32
        %dma_start3A_62 = tpu.memref_slice %arg2[%add3A_18, %dma_start3A_61] : memref<832x100000xf32, #tpu.memory_space<hbm>> -> memref<8x1664xf32, #tpu.memory_space<hbm>>
        tpu.enqueue_dma source(%dma_start3A_62 : memref<8x1664xf32, #tpu.memory_space<hbm>>) target(%arg14 : memref<8x1664xf32, #tpu.memory_space<vmem>>) target_semaphore(%arg18 : memref<!tpu.dma_semaphore, #tpu.memory_space<semaphore_mem>>)
        %dma_start3A_63 = arith.constant 0 : i32
        %dma_start3A_64 = tpu.memref_slice %arg3[%add3A_18, %dma_start3A_63] : memref<832x128xf32, #tpu.memory_space<hbm>> -> memref<8x128xf32, #tpu.memory_space<hbm>>
        %dma_start3A_65 = arith.constant 0 : i32
        %dma_start3A_66 = tpu.memref_slice %arg3[%add3A_18, %dma_start3A_65] : memref<832x128xf32, #tpu.memory_space<hbm>> -> memref<8x128xf32, #tpu.memory_space<hbm>>
        tpu.enqueue_dma source(%dma_start3A_66 : memref<8x128xf32, #tpu.memory_space<hbm>>) target(%arg15 : memref<8x128xf32, #tpu.memory_space<vmem>>) target_semaphore(%arg18 : memref<!tpu.dma_semaphore, #tpu.memory_space<semaphore_mem>>)
        %scan3A_67 = arith.constant 0 : i32
        %scan3A_68 = arith.constant 0 : i32
        %scan3A_69 = arith.constant 16 : i32
        %scan3A_70 = arith.addi %scan3A_68, %scan3A_69 : i32
        %scan3A_71 = arith.constant 1 : i32
        scf.for %scan3A_146 = %scan3A_68 to %scan3A_70 step %scan3A_71  : i32 {
          %mul3A_147 = arith.constant 3 : i32
          %mul3A_148 = arith.muli %mul3A_147, %scan3A_146 : i32
          %add3A_149 = arith.constant 2 : i32
          %add3A_150 = arith.addi %mul3A_148, %add3A_149 : i32
          %mul3A_151 = arith.constant 2048 : i32
          %mul3A_152 = arith.muli %add3A_150, %mul3A_151 : i32
          %dma_start3A_153 = tpu.memref_slice %arg2[%add3A_18, %mul3A_152] : memref<832x100000xf32, #tpu.memory_space<hbm>> -> memref<8x2048xf32, #tpu.memory_space<hbm>>
          %dma_start3A_154 = tpu.memref_slice %arg2[%add3A_18, %mul3A_152] : memref<832x100000xf32, #tpu.memory_space<hbm>> -> memref<8x2048xf32, #tpu.memory_space<hbm>>
          tpu.enqueue_dma source(%dma_start3A_154 : memref<8x2048xf32, #tpu.memory_space<hbm>>) target(%arg13 : memref<8x2048xf32, #tpu.memory_space<vmem>>) target_semaphore(%arg17 : memref<!tpu.dma_semaphore, #tpu.memory_space<semaphore_mem>>)
          %mul3A_155 = arith.constant 2048 : i32
          %mul3A_156 = arith.muli %mul3A_148, %mul3A_155 : i32
          %dma_wait3A_157 = tpu.memref_slice %arg2[%add3A_18, %mul3A_156] : memref<832x100000xf32, #tpu.memory_space<hbm>> -> memref<8x2048xf32, #tpu.memory_space<hbm>>
          %dma_wait3A_158 = tpu.memref_slice %arg2[%add3A_18, %mul3A_156] : memref<832x100000xf32, #tpu.memory_space<hbm>> -> memref<8x2048xf32, #tpu.memory_space<hbm>>
          tpu.wait_dma2 semaphore(%arg17 : memref<!tpu.dma_semaphore, #tpu.memory_space<semaphore_mem>>) src(%dma_wait3A_158 : memref<8x2048xf32, #tpu.memory_space<hbm>>) dst(%arg11 : memref<8x2048xf32, #tpu.memory_space<vmem>>)
          %mul3A_159 = arith.constant 2048 : i32
          %mul3A_160 = arith.muli %mul3A_148, %mul3A_159 : i32
          %broadcast_in_dim3A_161 = arith.constant 0 : i32
          %broadcast_in_dim3A_162 = vector.broadcast %broadcast_in_dim3A_161 : i32 to vector<16xi32>
          %add3A_163 = vector.broadcast %mul3A_148 : i32 to vector<16xi32>
          %add3A_164 = arith.addi %broadcast_in_dim3A_162, %add3A_163 : vector<16xi32>
          %add3A_165 = arith.addi %add3A_164, %iota3A : vector<16xi32>
          %gather3A_166 = tpu.vector_load_idx %arg10[%add3A_165] : memref<80xi32, #tpu.memory_space<vmem>>[vector<16xi32>], vector<16xi32>,
          %slice3A_167 = vector.extract_strided_slice %gather3A_166 {offsets = [0], sizes = [1], strides = [1]} : vector<16xi32> to vector<1xi32>
          %squeeze3A_168 = vector.extract %slice3A_167[0] : i32 from vector<1xi32>
          %slice3A_169 = vector.extract_strided_slice %gather3A_166 {offsets = [1], sizes = [1], strides = [1]} : vector<16xi32> to vector<1xi32>
          %squeeze3A_170 = vector.extract %slice3A_169[0] : i32 from vector<1xi32>
          %div3A_171 = arith.constant 16 : i32
          %div3A_172 = arith.divsi %squeeze3A_168, %div3A_171 : i32
          %add3A_173 = arith.constant 16 : i32
          %add3A_174 = arith.addi %squeeze3A_170, %add3A_173 : i32
          %sub3A_175 = arith.constant 1 : i32
          %sub3A_176 = arith.subi %add3A_174, %sub3A_175 : i32
          %div3A_177 = arith.constant 16 : i32
          %div3A_178 = arith.divsi %sub3A_176, %div3A_177 : i32
          %while3A_179 = arith.constant 0 : i32
          %while3A_180 = arith.subi %div3A_178, %div3A_172 : i32
          %while3A_181 = arith.addi %div3A_172, %while3A_180 : i32
          %while3A_182 = arith.constant 1 : i32
          %while3A_183 = arith.divsi %while3A_180, %while3A_182 : i32
          %while3A_184 = arith.muli %while3A_183, %while3A_182 : i32
          %while3A_185 = arith.addi %div3A_172, %while3A_184 : i32
          %while3A_186 = arith.constant 1 : i32
          scf.for %while3A_280 = %div3A_172 to %while3A_185 step %while3A_186  : i32 {
            %mul3A_281 = arith.constant 16 : i32
            %mul3A_282 = arith.muli %while3A_280, %mul3A_281 : i32
            %get3A = arith.index_cast %mul3A_282 : i32 to index
            %get3A_283 = tpu.vector_load %arg8[%get3A] {strides = array<i32>} : memref<4096xi32, #tpu.memory_space<vmem>>, vector<16xi32>,
            %get3A_284 = arith.index_cast %mul3A_282 : i32 to index
            %get3A_285 = tpu.vector_load %arg9[%get3A_284] {strides = array<i32>} : memref<4096xi32, #tpu.memory_space<vmem>>, vector<16xi32>,
            %ge3A = vector.broadcast %mul3A_160 : i32 to vector<16xi32>
            %ge3A_286 = arith.cmpi sge, %get3A_283, %ge3A : vector<16xi32>
            %add3A_287 = arith.constant 2048 : i32
            %add3A_288 = arith.addi %mul3A_160, %add3A_287 : i32
            %lt3A_289 = vector.broadcast %add3A_288 : i32 to vector<16xi32>
            %lt3A_290 = arith.cmpi slt, %get3A_283, %lt3A_289 : vector<16xi32>
            %and3A = arith.andi %ge3A_286, %lt3A_290 : vector<16xi1>
            %sub3A_291 = vector.broadcast %mul3A_160 : i32 to vector<16xi32>
            %sub3A_292 = arith.subi %get3A_283, %sub3A_291 : vector<16xi32>
            %jit3A = arith.constant 0 : i32
            %jit3A_293 = arith.constant 2047 : i32
            %max3A = vector.broadcast %jit3A : i32 to vector<16xi32>
            %max3A_294 = arith.maxsi %max3A, %sub3A_292 : vector<16xi32>
            %min3A = vector.broadcast %jit3A_293 : i32 to vector<16xi32>
            %min3A_295 = arith.minsi %min3A, %max3A_294 : vector<16xi32>
            %broadcast_in_dim3A_296 = arith.constant 0 : i32
            %broadcast_in_dim3A_297 = vector.broadcast %broadcast_in_dim3A_296 : i32 to vector<16xi32>
            %add3A_298 = arith.constant 0 : i32
            %add3A_299 = vector.broadcast %add3A_298 : i32 to vector<16xi32>
            %add3A_300 = arith.addi %broadcast_in_dim3A_297, %add3A_299 : vector<16xi32>
            %gather3A_301 = tpu.vector_load_idx %arg11[%add3A_300, %min3A_295] masked %and3A : memref<8x2048xf32, #tpu.memory_space<vmem>>[vector<16xi32>, vector<16xi32>], vector<16xf32>, vector<16xi1>
            %broadcast_in_dim3A_302 = arith.constant 0 : i32
            %broadcast_in_dim3A_303 = vector.broadcast %broadcast_in_dim3A_302 : i32 to vector<16xi32>
            %add3A_304 = arith.constant 0 : i32
            %add3A_305 = vector.broadcast %add3A_304 : i32 to vector<16xi32>
            %add3A_306 = arith.addi %broadcast_in_dim3A_303, %add3A_305 : vector<16xi32>
            tpu.vector_store_idx %arg16[%add3A_306, %get3A_285], %gather3A_301 masked %and3A : memref<8x4096xf32, #tpu.memory_space<vmem>>[vector<16xi32>, vector<16xi32>], vector<16xf32>, vector<16xi1>
            %broadcast_in_dim3A_307 = arith.constant 0 : i32
            %broadcast_in_dim3A_308 = vector.broadcast %broadcast_in_dim3A_307 : i32 to vector<16xi32>
            %add3A_309 = arith.constant 1 : i32
            %add3A_310 = vector.broadcast %add3A_309 : i32 to vector<16xi32>
            %add3A_311 = arith.addi %broadcast_in_dim3A_308, %add3A_310 : vector<16xi32>
            %gather3A_312 = tpu.vector_load_idx %arg11[%add3A_311, %min3A_295] masked %and3A : memref<8x2048xf32, #tpu.memory_space<vmem>>[vector<16xi32>, vector<16xi32>], vector<16xf32>, vector<16xi1>
            %broadcast_in_dim3A_313 = arith.constant 0 : i32
            %broadcast_in_dim3A_314 = vector.broadcast %broadcast_in_dim3A_313 : i32 to vector<16xi32>
            %add3A_315 = arith.constant 1 : i32
            %add3A_316 = vector.broadcast %add3A_315 : i32 to vector<16xi32>
            %add3A_317 = arith.addi %broadcast_in_dim3A_314, %add3A_316 : vector<16xi32>
            tpu.vector_store_idx %arg16[%add3A_317, %get3A_285], %gather3A_312 masked %and3A : memref<8x4096xf32, #tpu.memory_space<vmem>>[vector<16xi32>, vector<16xi32>], vector<16xf32>, vector<16xi1>
            %broadcast_in_dim3A_318 = arith.constant 0 : i32
            %broadcast_in_dim3A_319 = vector.broadcast %broadcast_in_dim3A_318 : i32 to vector<16xi32>
            %add3A_320 = arith.constant 2 : i32
            %add3A_321 = vector.broadcast %add3A_320 : i32 to vector<16xi32>
            %add3A_322 = arith.addi %broadcast_in_dim3A_319, %add3A_321 : vector<16xi32>
            %gather3A_323 = tpu.vector_load_idx %arg11[%add3A_322, %min3A_295] masked %and3A : memref<8x2048xf32, #tpu.memory_space<vmem>>[vector<16xi32>, vector<16xi32>], vector<16xf32>, vector<16xi1>
            %broadcast_in_dim3A_324 = arith.constant 0 : i32
            %broadcast_in_dim3A_325 = vector.broadcast %broadcast_in_dim3A_324 : i32 to vector<16xi32>
            %add3A_326 = arith.constant 2 : i32
            %add3A_327 = vector.broadcast %add3A_326 : i32 to vector<16xi32>
            %add3A_328 = arith.addi %broadcast_in_dim3A_325, %add3A_327 : vector<16xi32>
            tpu.vector_store_idx %arg16[%add3A_328, %get3A_285], %gather3A_323 masked %and3A : memref<8x4096xf32, #tpu.memory_space<vmem>>[vector<16xi32>, vector<16xi32>], vector<16xf32>, vector<16xi1>
            %broadcast_in_dim3A_329 = arith.constant 0 : i32
            %broadcast_in_dim3A_330 = vector.broadcast %broadcast_in_dim3A_329 : i32 to vector<16xi32>
            %add3A_331 = arith.constant 3 : i32
            %add3A_332 = vector.broadcast %add3A_331 : i32 to vector<16xi32>
            %add3A_333 = arith.addi %broadcast_in_dim3A_330, %add3A_332 : vector<16xi32>
            %gather3A_334 = tpu.vector_load_idx %arg11[%add3A_333, %min3A_295] masked %and3A : memref<8x2048xf32, #tpu.memory_space<vmem>>[vector<16xi32>, vector<16xi32>], vector<16xf32>, vector<16xi1>
            %broadcast_in_dim3A_335 = arith.constant 0 : i32
            %broadcast_in_dim3A_336 = vector.broadcast %broadcast_in_dim3A_335 : i32 to vector<16xi32>
            %add3A_337 = arith.constant 3 : i32
            %add3A_338 = vector.broadcast %add3A_337 : i32 to vector<16xi32>
            %add3A_339 = arith.addi %broadcast_in_dim3A_336, %add3A_338 : vector<16xi32>
            tpu.vector_store_idx %arg16[%add3A_339, %get3A_285], %gather3A_334 masked %and3A : memref<8x4096xf32, #tpu.memory_space<vmem>>[vector<16xi32>, vector<16xi32>], vector<16xf32>, vector<16xi1>
            %broadcast_in_dim3A_340 = arith.constant 0 : i32
            %broadcast_in_dim3A_341 = vector.broadcast %broadcast_in_dim3A_340 : i32 to vector<16xi32>
            %add3A_342 = arith.constant 4 : i32
            %add3A_343 = vector.broadcast %add3A_342 : i32 to vector<16xi32>
            %add3A_344 = arith.addi %broadcast_in_dim3A_341, %add3A_343 : vector<16xi32>
            %gather3A_345 = tpu.vector_load_idx %arg11[%add3A_344, %min3A_295] masked %and3A : memref<8x2048xf32, #tpu.memory_space<vmem>>[vector<16xi32>, vector<16xi32>], vector<16xf32>, vector<16xi1>
            %broadcast_in_dim3A_346 = arith.constant 0 : i32
            %broadcast_in_dim3A_347 = vector.broadcast %broadcast_in_dim3A_346 : i32 to vector<16xi32>
            %add3A_348 = arith.constant 4 : i32
            %add3A_349 = vector.broadcast %add3A_348 : i32 to vector<16xi32>
            %add3A_350 = arith.addi %broadcast_in_dim3A_347, %add3A_349 : vector<16xi32>
            tpu.vector_store_idx %arg16[%add3A_350, %get3A_285], %gather3A_345 masked %and3A : memref<8x4096xf32, #tpu.memory_space<vmem>>[vector<16xi32>, vector<16xi32>], vector<16xf32>, vector<16xi1>
            %broadcast_in_dim3A_351 = arith.constant 0 : i32
            %broadcast_in_dim3A_352 = vector.broadcast %broadcast_in_dim3A_351 : i32 to vector<16xi32>
            %add3A_353 = arith.constant 5 : i32
            %add3A_354 = vector.broadcast %add3A_353 : i32 to vector<16xi32>
            %add3A_355 = arith.addi %broadcast_in_dim3A_352, %add3A_354 : vector<16xi32>
            %gather3A_356 = tpu.vector_load_idx %arg11[%add3A_355, %min3A_295] masked %and3A : memref<8x2048xf32, #tpu.memory_space<vmem>>[vector<16xi32>, vector<16xi32>], vector<16xf32>, vector<16xi1>
            %broadcast_in_dim3A_357 = arith.constant 0 : i32
            %broadcast_in_dim3A_358 = vector.broadcast %broadcast_in_dim3A_357 : i32 to vector<16xi32>
            %add3A_359 = arith.constant 5 : i32
            %add3A_360 = vector.broadcast %add3A_359 : i32 to vector<16xi32>
            %add3A_361 = arith.addi %broadcast_in_dim3A_358, %add3A_360 : vector<16xi32>
            tpu.vector_store_idx %arg16[%add3A_361, %get3A_285], %gather3A_356 masked %and3A : memref<8x4096xf32, #tpu.memory_space<vmem>>[vector<16xi32>, vector<16xi32>], vector<16xf32>, vector<16xi1>
            %broadcast_in_dim3A_362 = arith.constant 0 : i32
            %broadcast_in_dim3A_363 = vector.broadcast %broadcast_in_dim3A_362 : i32 to vector<16xi32>
            %add3A_364 = arith.constant 6 : i32
            %add3A_365 = vector.broadcast %add3A_364 : i32 to vector<16xi32>
            %add3A_366 = arith.addi %broadcast_in_dim3A_363, %add3A_365 : vector<16xi32>
            %gather3A_367 = tpu.vector_load_idx %arg11[%add3A_366, %min3A_295] masked %and3A : memref<8x2048xf32, #tpu.memory_space<vmem>>[vector<16xi32>, vector<16xi32>], vector<16xf32>, vector<16xi1>
            %broadcast_in_dim3A_368 = arith.constant 0 : i32
            %broadcast_in_dim3A_369 = vector.broadcast %broadcast_in_dim3A_368 : i32 to vector<16xi32>
            %add3A_370 = arith.constant 6 : i32
            %add3A_371 = vector.broadcast %add3A_370 : i32 to vector<16xi32>
            %add3A_372 = arith.addi %broadcast_in_dim3A_369, %add3A_371 : vector<16xi32>
            tpu.vector_store_idx %arg16[%add3A_372, %get3A_285], %gather3A_367 masked %and3A : memref<8x4096xf32, #tpu.memory_space<vmem>>[vector<16xi32>, vector<16xi32>], vector<16xf32>, vector<16xi1>
            %broadcast_in_dim3A_373 = arith.constant 0 : i32
            %broadcast_in_dim3A_374 = vector.broadcast %broadcast_in_dim3A_373 : i32 to vector<16xi32>
            %add3A_375 = arith.constant 7 : i32
            %add3A_376 = vector.broadcast %add3A_375 : i32 to vector<16xi32>
            %add3A_377 = arith.addi %broadcast_in_dim3A_374, %add3A_376 : vector<16xi32>
            %gather3A_378 = tpu.vector_load_idx %arg11[%add3A_377, %min3A_295] masked %and3A : memref<8x2048xf32, #tpu.memory_space<vmem>>[vector<16xi32>, vector<16xi32>], vector<16xf32>, vector<16xi1>
            %broadcast_in_dim3A_379 = arith.constant 0 : i32
            %broadcast_in_dim3A_380 = vector.broadcast %broadcast_in_dim3A_379 : i32 to vector<16xi32>
            %add3A_381 = arith.constant 7 : i32
            %add3A_382 = vector.broadcast %add3A_381 : i32 to vector<16xi32>
            %add3A_383 = arith.addi %broadcast_in_dim3A_380, %add3A_382 : vector<16xi32>
            tpu.vector_store_idx %arg16[%add3A_383, %get3A_285], %gather3A_378 masked %and3A : memref<8x4096xf32, #tpu.memory_space<vmem>>[vector<16xi32>, vector<16xi32>], vector<16xf32>, vector<16xi1>
          }
          %while3A_187 = arith.constant 1 : i32
          scf.for %while3A_280 = %while3A_185 to %while3A_181 step %while3A_187  : i32 {
            %mul3A_281 = arith.constant 16 : i32
            %mul3A_282 = arith.muli %while3A_280, %mul3A_281 : i32
            %get3A = arith.index_cast %mul3A_282 : i32 to index
            %get3A_283 = tpu.vector_load %arg8[%get3A] {strides = array<i32>} : memref<4096xi32, #tpu.memory_space<vmem>>, vector<16xi32>,
            %get3A_284 = arith.index_cast %mul3A_282 : i32 to index
            %get3A_285 = tpu.vector_load %arg9[%get3A_284] {strides = array<i32>} : memref<4096xi32, #tpu.memory_space<vmem>>, vector<16xi32>,
            %ge3A = vector.broadcast %mul3A_160 : i32 to vector<16xi32>
            %ge3A_286 = arith.cmpi sge, %get3A_283, %ge3A : vector<16xi32>
            %add3A_287 = arith.constant 2048 : i32
            %add3A_288 = arith.addi %mul3A_160, %add3A_287 : i32
            %lt3A_289 = vector.broadcast %add3A_288 : i32 to vector<16xi32>
            %lt3A_290 = arith.cmpi slt, %get3A_283, %lt3A_289 : vector<16xi32>
            %and3A = arith.andi %ge3A_286, %lt3A_290 : vector<16xi1>
            %sub3A_291 = vector.broadcast %mul3A_160 : i32 to vector<16xi32>
            %sub3A_292 = arith.subi %get3A_283, %sub3A_291 : vector<16xi32>
            %jit3A = arith.constant 0 : i32
            %jit3A_293 = arith.constant 2047 : i32
            %max3A = vector.broadcast %jit3A : i32 to vector<16xi32>
            %max3A_294 = arith.maxsi %max3A, %sub3A_292 : vector<16xi32>
            %min3A = vector.broadcast %jit3A_293 : i32 to vector<16xi32>
            %min3A_295 = arith.minsi %min3A, %max3A_294 : vector<16xi32>
            %broadcast_in_dim3A_296 = arith.constant 0 : i32
            %broadcast_in_dim3A_297 = vector.broadcast %broadcast_in_dim3A_296 : i32 to vector<16xi32>
            %add3A_298 = arith.constant 0 : i32
            %add3A_299 = vector.broadcast %add3A_298 : i32 to vector<16xi32>
            %add3A_300 = arith.addi %broadcast_in_dim3A_297, %add3A_299 : vector<16xi32>
            %gather3A_301 = tpu.vector_load_idx %arg11[%add3A_300, %min3A_295] masked %and3A : memref<8x2048xf32, #tpu.memory_space<vmem>>[vector<16xi32>, vector<16xi32>], vector<16xf32>, vector<16xi1>
            %broadcast_in_dim3A_302 = arith.constant 0 : i32
            %broadcast_in_dim3A_303 = vector.broadcast %broadcast_in_dim3A_302 : i32 to vector<16xi32>
            %add3A_304 = arith.constant 0 : i32
            %add3A_305 = vector.broadcast %add3A_304 : i32 to vector<16xi32>
            %add3A_306 = arith.addi %broadcast_in_dim3A_303, %add3A_305 : vector<16xi32>
            tpu.vector_store_idx %arg16[%add3A_306, %get3A_285], %gather3A_301 masked %and3A : memref<8x4096xf32, #tpu.memory_space<vmem>>[vector<16xi32>, vector<16xi32>], vector<16xf32>, vector<16xi1>
            %broadcast_in_dim3A_307 = arith.constant 0 : i32
            %broadcast_in_dim3A_308 = vector.broadcast %broadcast_in_dim3A_307 : i32 to vector<16xi32>
            %add3A_309 = arith.constant 1 : i32
            %add3A_310 = vector.broadcast %add3A_309 : i32 to vector<16xi32>
            %add3A_311 = arith.addi %broadcast_in_dim3A_308, %add3A_310 : vector<16xi32>
            %gather3A_312 = tpu.vector_load_idx %arg11[%add3A_311, %min3A_295] masked %and3A : memref<8x2048xf32, #tpu.memory_space<vmem>>[vector<16xi32>, vector<16xi32>], vector<16xf32>, vector<16xi1>
            %broadcast_in_dim3A_313 = arith.constant 0 : i32
            %broadcast_in_dim3A_314 = vector.broadcast %broadcast_in_dim3A_313 : i32 to vector<16xi32>
            %add3A_315 = arith.constant 1 : i32
            %add3A_316 = vector.broadcast %add3A_315 : i32 to vector<16xi32>
            %add3A_317 = arith.addi %broadcast_in_dim3A_314, %add3A_316 : vector<16xi32>
            tpu.vector_store_idx %arg16[%add3A_317, %get3A_285], %gather3A_312 masked %and3A : memref<8x4096xf32, #tpu.memory_space<vmem>>[vector<16xi32>, vector<16xi32>], vector<16xf32>, vector<16xi1>
            %broadcast_in_dim3A_318 = arith.constant 0 : i32
            %broadcast_in_dim3A_319 = vector.broadcast %broadcast_in_dim3A_318 : i32 to vector<16xi32>
            %add3A_320 = arith.constant 2 : i32
            %add3A_321 = vector.broadcast %add3A_320 : i32 to vector<16xi32>
            %add3A_322 = arith.addi %broadcast_in_dim3A_319, %add3A_321 : vector<16xi32>
            %gather3A_323 = tpu.vector_load_idx %arg11[%add3A_322, %min3A_295] masked %and3A : memref<8x2048xf32, #tpu.memory_space<vmem>>[vector<16xi32>, vector<16xi32>], vector<16xf32>, vector<16xi1>
            %broadcast_in_dim3A_324 = arith.constant 0 : i32
            %broadcast_in_dim3A_325 = vector.broadcast %broadcast_in_dim3A_324 : i32 to vector<16xi32>
            %add3A_326 = arith.constant 2 : i32
            %add3A_327 = vector.broadcast %add3A_326 : i32 to vector<16xi32>
            %add3A_328 = arith.addi %broadcast_in_dim3A_325, %add3A_327 : vector<16xi32>
            tpu.vector_store_idx %arg16[%add3A_328, %get3A_285], %gather3A_323 masked %and3A : memref<8x4096xf32, #tpu.memory_space<vmem>>[vector<16xi32>, vector<16xi32>], vector<16xf32>, vector<16xi1>
            %broadcast_in_dim3A_329 = arith.constant 0 : i32
            %broadcast_in_dim3A_330 = vector.broadcast %broadcast_in_dim3A_329 : i32 to vector<16xi32>
            %add3A_331 = arith.constant 3 : i32
            %add3A_332 = vector.broadcast %add3A_331 : i32 to vector<16xi32>
            %add3A_333 = arith.addi %broadcast_in_dim3A_330, %add3A_332 : vector<16xi32>
            %gather3A_334 = tpu.vector_load_idx %arg11[%add3A_333, %min3A_295] masked %and3A : memref<8x2048xf32, #tpu.memory_space<vmem>>[vector<16xi32>, vector<16xi32>], vector<16xf32>, vector<16xi1>
            %broadcast_in_dim3A_335 = arith.constant 0 : i32
            %broadcast_in_dim3A_336 = vector.broadcast %broadcast_in_dim3A_335 : i32 to vector<16xi32>
            %add3A_337 = arith.constant 3 : i32
            %add3A_338 = vector.broadcast %add3A_337 : i32 to vector<16xi32>
            %add3A_339 = arith.addi %broadcast_in_dim3A_336, %add3A_338 : vector<16xi32>
            tpu.vector_store_idx %arg16[%add3A_339, %get3A_285], %gather3A_334 masked %and3A : memref<8x4096xf32, #tpu.memory_space<vmem>>[vector<16xi32>, vector<16xi32>], vector<16xf32>, vector<16xi1>
            %broadcast_in_dim3A_340 = arith.constant 0 : i32
            %broadcast_in_dim3A_341 = vector.broadcast %broadcast_in_dim3A_340 : i32 to vector<16xi32>
            %add3A_342 = arith.constant 4 : i32
            %add3A_343 = vector.broadcast %add3A_342 : i32 to vector<16xi32>
            %add3A_344 = arith.addi %broadcast_in_dim3A_341, %add3A_343 : vector<16xi32>
            %gather3A_345 = tpu.vector_load_idx %arg11[%add3A_344, %min3A_295] masked %and3A : memref<8x2048xf32, #tpu.memory_space<vmem>>[vector<16xi32>, vector<16xi32>], vector<16xf32>, vector<16xi1>
            %broadcast_in_dim3A_346 = arith.constant 0 : i32
            %broadcast_in_dim3A_347 = vector.broadcast %broadcast_in_dim3A_346 : i32 to vector<16xi32>
            %add3A_348 = arith.constant 4 : i32
            %add3A_349 = vector.broadcast %add3A_348 : i32 to vector<16xi32>
            %add3A_350 = arith.addi %broadcast_in_dim3A_347, %add3A_349 : vector<16xi32>
            tpu.vector_store_idx %arg16[%add3A_350, %get3A_285], %gather3A_345 masked %and3A : memref<8x4096xf32, #tpu.memory_space<vmem>>[vector<16xi32>, vector<16xi32>], vector<16xf32>, vector<16xi1>
            %broadcast_in_dim3A_351 = arith.constant 0 : i32
            %broadcast_in_dim3A_352 = vector.broadcast %broadcast_in_dim3A_351 : i32 to vector<16xi32>
            %add3A_353 = arith.constant 5 : i32
            %add3A_354 = vector.broadcast %add3A_353 : i32 to vector<16xi32>
            %add3A_355 = arith.addi %broadcast_in_dim3A_352, %add3A_354 : vector<16xi32>
            %gather3A_356 = tpu.vector_load_idx %arg11[%add3A_355, %min3A_295] masked %and3A : memref<8x2048xf32, #tpu.memory_space<vmem>>[vector<16xi32>, vector<16xi32>], vector<16xf32>, vector<16xi1>
            %broadcast_in_dim3A_357 = arith.constant 0 : i32
            %broadcast_in_dim3A_358 = vector.broadcast %broadcast_in_dim3A_357 : i32 to vector<16xi32>
            %add3A_359 = arith.constant 5 : i32
            %add3A_360 = vector.broadcast %add3A_359 : i32 to vector<16xi32>
            %add3A_361 = arith.addi %broadcast_in_dim3A_358, %add3A_360 : vector<16xi32>
            tpu.vector_store_idx %arg16[%add3A_361, %get3A_285], %gather3A_356 masked %and3A : memref<8x4096xf32, #tpu.memory_space<vmem>>[vector<16xi32>, vector<16xi32>], vector<16xf32>, vector<16xi1>
            %broadcast_in_dim3A_362 = arith.constant 0 : i32
            %broadcast_in_dim3A_363 = vector.broadcast %broadcast_in_dim3A_362 : i32 to vector<16xi32>
            %add3A_364 = arith.constant 6 : i32
            %add3A_365 = vector.broadcast %add3A_364 : i32 to vector<16xi32>
            %add3A_366 = arith.addi %broadcast_in_dim3A_363, %add3A_365 : vector<16xi32>
            %gather3A_367 = tpu.vector_load_idx %arg11[%add3A_366, %min3A_295] masked %and3A : memref<8x2048xf32, #tpu.memory_space<vmem>>[vector<16xi32>, vector<16xi32>], vector<16xf32>, vector<16xi1>
            %broadcast_in_dim3A_368 = arith.constant 0 : i32
            %broadcast_in_dim3A_369 = vector.broadcast %broadcast_in_dim3A_368 : i32 to vector<16xi32>
            %add3A_370 = arith.constant 6 : i32
            %add3A_371 = vector.broadcast %add3A_370 : i32 to vector<16xi32>
            %add3A_372 = arith.addi %broadcast_in_dim3A_369, %add3A_371 : vector<16xi32>
            tpu.vector_store_idx %arg16[%add3A_372, %get3A_285], %gather3A_367 masked %and3A : memref<8x4096xf32, #tpu.memory_space<vmem>>[vector<16xi32>, vector<16xi32>], vector<16xf32>, vector<16xi1>
            %broadcast_in_dim3A_373 = arith.constant 0 : i32
            %broadcast_in_dim3A_374 = vector.broadcast %broadcast_in_dim3A_373 : i32 to vector<16xi32>
            %add3A_375 = arith.constant 7 : i32
            %add3A_376 = vector.broadcast %add3A_375 : i32 to vector<16xi32>
            %add3A_377 = arith.addi %broadcast_in_dim3A_374, %add3A_376 : vector<16xi32>
            %gather3A_378 = tpu.vector_load_idx %arg11[%add3A_377, %min3A_295] masked %and3A : memref<8x2048xf32, #tpu.memory_space<vmem>>[vector<16xi32>, vector<16xi32>], vector<16xf32>, vector<16xi1>
            %broadcast_in_dim3A_379 = arith.constant 0 : i32
            %broadcast_in_dim3A_380 = vector.broadcast %broadcast_in_dim3A_379 : i32 to vector<16xi32>
            %add3A_381 = arith.constant 7 : i32
            %add3A_382 = vector.broadcast %add3A_381 : i32 to vector<16xi32>
            %add3A_383 = arith.addi %broadcast_in_dim3A_380, %add3A_382 : vector<16xi32>
            tpu.vector_store_idx %arg16[%add3A_383, %get3A_285], %gather3A_378 masked %and3A : memref<8x4096xf32, #tpu.memory_space<vmem>>[vector<16xi32>, vector<16xi32>], vector<16xf32>, vector<16xi1>
          }
          %add3A_188 = arith.constant 3 : i32
          %add3A_189 = arith.addi %mul3A_148, %add3A_188 : i32
          %lt3A_190 = arith.constant 48 : i32
          %lt3A_191 = arith.cmpi slt, %add3A_189, %lt3A_190 : i32
          %convert_element_type3A_192 = arith.extui %lt3A_191 : i1 to i32
          %cond3A_193 = arith.constant 0 : i32
          %cond3A_194 = arith.cmpi ne, %convert_element_type3A_192, %cond3A_193 : i32
          scf.if %cond3A_194 {
            %add3A_280 = arith.constant 3 : i32
            %add3A_281 = arith.addi %mul3A_148, %add3A_280 : i32
            %mul3A_282 = arith.constant 2048 : i32
            %mul3A_283 = arith.muli %add3A_281, %mul3A_282 : i32
            %dma_start3A_284 = tpu.memref_slice %arg2[%add3A_18, %mul3A_283] : memref<832x100000xf32, #tpu.memory_space<hbm>> -> memref<8x2048xf32, #tpu.memory_space<hbm>>
            %dma_start3A_285 = tpu.memref_slice %arg2[%add3A_18, %mul3A_283] : memref<832x100000xf32, #tpu.memory_space<hbm>> -> memref<8x2048xf32, #tpu.memory_space<hbm>>
            tpu.enqueue_dma source(%dma_start3A_285 : memref<8x2048xf32, #tpu.memory_space<hbm>>) target(%arg11 : memref<8x2048xf32, #tpu.memory_space<vmem>>) target_semaphore(%arg17 : memref<!tpu.dma_semaphore, #tpu.memory_space<semaphore_mem>>)
          } else {
          }
          %add3A_195 = arith.constant 1 : i32
          %add3A_196 = arith.addi %mul3A_148, %add3A_195 : i32
          %mul3A_197 = arith.constant 2048 : i32
          %mul3A_198 = arith.muli %add3A_196, %mul3A_197 : i32
          %dma_wait3A_199 = tpu.memref_slice %arg2[%add3A_18, %mul3A_198] : memref<832x100000xf32, #tpu.memory_space<hbm>> -> memref<8x2048xf32, #tpu.memory_space<hbm>>
          %dma_wait3A_200 = tpu.memref_slice %arg2[%add3A_18, %mul3A_198] : memref<832x100000xf32, #tpu.memory_space<hbm>> -> memref<8x2048xf32, #tpu.memory_space<hbm>>
          tpu.wait_dma2 semaphore(%arg17 : memref<!tpu.dma_semaphore, #tpu.memory_space<semaphore_mem>>) src(%dma_wait3A_200 : memref<8x2048xf32, #tpu.memory_space<hbm>>) dst(%arg12 : memref<8x2048xf32, #tpu.memory_space<vmem>>)
          %add3A_201 = arith.constant 1 : i32
          %add3A_202 = arith.addi %mul3A_148, %add3A_201 : i32
          %add3A_203 = arith.constant 1 : i32
          %add3A_204 = arith.addi %mul3A_148, %add3A_203 : i32
          %mul3A_205 = arith.constant 2048 : i32
          %mul3A_206 = arith.muli %add3A_204, %mul3A_205 : i32
          %broadcast_in_dim3A_207 = arith.constant 0 : i32
          %broadcast_in_dim3A_208 = vector.broadcast %broadcast_in_dim3A_207 : i32 to vector<16xi32>
          %add3A_209 = vector.broadcast %add3A_202 : i32 to vector<16xi32>
          %add3A_210 = arith.addi %broadcast_in_dim3A_208, %add3A_209 : vector<16xi32>
          %add3A_211 = arith.addi %add3A_210, %iota3A : vector<16xi32>
          %gather3A_212 = tpu.vector_load_idx %arg10[%add3A_211] : memref<80xi32, #tpu.memory_space<vmem>>[vector<16xi32>], vector<16xi32>,
          %slice3A_213 = vector.extract_strided_slice %gather3A_212 {offsets = [0], sizes = [1], strides = [1]} : vector<16xi32> to vector<1xi32>
          %squeeze3A_214 = vector.extract %slice3A_213[0] : i32 from vector<1xi32>
          %slice3A_215 = vector.extract_strided_slice %gather3A_212 {offsets = [1], sizes = [1], strides = [1]} : vector<16xi32> to vector<1xi32>
          %squeeze3A_216 = vector.extract %slice3A_215[0] : i32 from vector<1xi32>
          %div3A_217 = arith.constant 16 : i32
          %div3A_218 = arith.divsi %squeeze3A_214, %div3A_217 : i32
          %add3A_219 = arith.constant 16 : i32
          %add3A_220 = arith.addi %squeeze3A_216, %add3A_219 : i32
          %sub3A_221 = arith.constant 1 : i32
          %sub3A_222 = arith.subi %add3A_220, %sub3A_221 : i32
          %div3A_223 = arith.constant 16 : i32
          %div3A_224 = arith.divsi %sub3A_222, %div3A_223 : i32
          %while3A_225 = arith.constant 0 : i32
          %while3A_226 = arith.subi %div3A_224, %div3A_218 : i32
          %while3A_227 = arith.addi %div3A_218, %while3A_226 : i32
          %while3A_228 = arith.constant 1 : i32
          %while3A_229 = arith.divsi %while3A_226, %while3A_228 : i32
          %while3A_230 = arith.muli %while3A_229, %while3A_228 : i32
          %while3A_231 = arith.addi %div3A_218, %while3A_230 : i32
          %while3A_232 = arith.constant 1 : i32
          scf.for %while3A_280 = %div3A_218 to %while3A_231 step %while3A_232  : i32 {
            %mul3A_281 = arith.constant 16 : i32
            %mul3A_282 = arith.muli %while3A_280, %mul3A_281 : i32
            %get3A = arith.index_cast %mul3A_282 : i32 to index
            %get3A_283 = tpu.vector_load %arg8[%get3A] {strides = array<i32>} : memref<4096xi32, #tpu.memory_space<vmem>>, vector<16xi32>,
            %get3A_284 = arith.index_cast %mul3A_282 : i32 to index
            %get3A_285 = tpu.vector_load %arg9[%get3A_284] {strides = array<i32>} : memref<4096xi32, #tpu.memory_space<vmem>>, vector<16xi32>,
            %ge3A = vector.broadcast %mul3A_206 : i32 to vector<16xi32>
            %ge3A_286 = arith.cmpi sge, %get3A_283, %ge3A : vector<16xi32>
            %add3A_287 = arith.constant 2048 : i32
            %add3A_288 = arith.addi %mul3A_206, %add3A_287 : i32
            %lt3A_289 = vector.broadcast %add3A_288 : i32 to vector<16xi32>
            %lt3A_290 = arith.cmpi slt, %get3A_283, %lt3A_289 : vector<16xi32>
            %and3A = arith.andi %ge3A_286, %lt3A_290 : vector<16xi1>
            %sub3A_291 = vector.broadcast %mul3A_206 : i32 to vector<16xi32>
            %sub3A_292 = arith.subi %get3A_283, %sub3A_291 : vector<16xi32>
            %jit3A = arith.constant 0 : i32
            %jit3A_293 = arith.constant 2047 : i32
            %max3A = vector.broadcast %jit3A : i32 to vector<16xi32>
            %max3A_294 = arith.maxsi %max3A, %sub3A_292 : vector<16xi32>
            %min3A = vector.broadcast %jit3A_293 : i32 to vector<16xi32>
            %min3A_295 = arith.minsi %min3A, %max3A_294 : vector<16xi32>
            %broadcast_in_dim3A_296 = arith.constant 0 : i32
            %broadcast_in_dim3A_297 = vector.broadcast %broadcast_in_dim3A_296 : i32 to vector<16xi32>
            %add3A_298 = arith.constant 0 : i32
            %add3A_299 = vector.broadcast %add3A_298 : i32 to vector<16xi32>
            %add3A_300 = arith.addi %broadcast_in_dim3A_297, %add3A_299 : vector<16xi32>
            %gather3A_301 = tpu.vector_load_idx %arg12[%add3A_300, %min3A_295] masked %and3A : memref<8x2048xf32, #tpu.memory_space<vmem>>[vector<16xi32>, vector<16xi32>], vector<16xf32>, vector<16xi1>
            %broadcast_in_dim3A_302 = arith.constant 0 : i32
            %broadcast_in_dim3A_303 = vector.broadcast %broadcast_in_dim3A_302 : i32 to vector<16xi32>
            %add3A_304 = arith.constant 0 : i32
            %add3A_305 = vector.broadcast %add3A_304 : i32 to vector<16xi32>
            %add3A_306 = arith.addi %broadcast_in_dim3A_303, %add3A_305 : vector<16xi32>
            tpu.vector_store_idx %arg16[%add3A_306, %get3A_285], %gather3A_301 masked %and3A : memref<8x4096xf32, #tpu.memory_space<vmem>>[vector<16xi32>, vector<16xi32>], vector<16xf32>, vector<16xi1>
            %broadcast_in_dim3A_307 = arith.constant 0 : i32
            %broadcast_in_dim3A_308 = vector.broadcast %broadcast_in_dim3A_307 : i32 to vector<16xi32>
            %add3A_309 = arith.constant 1 : i32
            %add3A_310 = vector.broadcast %add3A_309 : i32 to vector<16xi32>
            %add3A_311 = arith.addi %broadcast_in_dim3A_308, %add3A_310 : vector<16xi32>
            %gather3A_312 = tpu.vector_load_idx %arg12[%add3A_311, %min3A_295] masked %and3A : memref<8x2048xf32, #tpu.memory_space<vmem>>[vector<16xi32>, vector<16xi32>], vector<16xf32>, vector<16xi1>
            %broadcast_in_dim3A_313 = arith.constant 0 : i32
            %broadcast_in_dim3A_314 = vector.broadcast %broadcast_in_dim3A_313 : i32 to vector<16xi32>
            %add3A_315 = arith.constant 1 : i32
            %add3A_316 = vector.broadcast %add3A_315 : i32 to vector<16xi32>
            %add3A_317 = arith.addi %broadcast_in_dim3A_314, %add3A_316 : vector<16xi32>
            tpu.vector_store_idx %arg16[%add3A_317, %get3A_285], %gather3A_312 masked %and3A : memref<8x4096xf32, #tpu.memory_space<vmem>>[vector<16xi32>, vector<16xi32>], vector<16xf32>, vector<16xi1>
            %broadcast_in_dim3A_318 = arith.constant 0 : i32
            %broadcast_in_dim3A_319 = vector.broadcast %broadcast_in_dim3A_318 : i32 to vector<16xi32>
            %add3A_320 = arith.constant 2 : i32
            %add3A_321 = vector.broadcast %add3A_320 : i32 to vector<16xi32>
            %add3A_322 = arith.addi %broadcast_in_dim3A_319, %add3A_321 : vector<16xi32>
            %gather3A_323 = tpu.vector_load_idx %arg12[%add3A_322, %min3A_295] masked %and3A : memref<8x2048xf32, #tpu.memory_space<vmem>>[vector<16xi32>, vector<16xi32>], vector<16xf32>, vector<16xi1>
            %broadcast_in_dim3A_324 = arith.constant 0 : i32
            %broadcast_in_dim3A_325 = vector.broadcast %broadcast_in_dim3A_324 : i32 to vector<16xi32>
            %add3A_326 = arith.constant 2 : i32
            %add3A_327 = vector.broadcast %add3A_326 : i32 to vector<16xi32>
            %add3A_328 = arith.addi %broadcast_in_dim3A_325, %add3A_327 : vector<16xi32>
            tpu.vector_store_idx %arg16[%add3A_328, %get3A_285], %gather3A_323 masked %and3A : memref<8x4096xf32, #tpu.memory_space<vmem>>[vector<16xi32>, vector<16xi32>], vector<16xf32>, vector<16xi1>
            %broadcast_in_dim3A_329 = arith.constant 0 : i32
            %broadcast_in_dim3A_330 = vector.broadcast %broadcast_in_dim3A_329 : i32 to vector<16xi32>
            %add3A_331 = arith.constant 3 : i32
            %add3A_332 = vector.broadcast %add3A_331 : i32 to vector<16xi32>
            %add3A_333 = arith.addi %broadcast_in_dim3A_330, %add3A_332 : vector<16xi32>
            %gather3A_334 = tpu.vector_load_idx %arg12[%add3A_333, %min3A_295] masked %and3A : memref<8x2048xf32, #tpu.memory_space<vmem>>[vector<16xi32>, vector<16xi32>], vector<16xf32>, vector<16xi1>
            %broadcast_in_dim3A_335 = arith.constant 0 : i32
            %broadcast_in_dim3A_336 = vector.broadcast %broadcast_in_dim3A_335 : i32 to vector<16xi32>
            %add3A_337 = arith.constant 3 : i32
            %add3A_338 = vector.broadcast %add3A_337 : i32 to vector<16xi32>
            %add3A_339 = arith.addi %broadcast_in_dim3A_336, %add3A_338 : vector<16xi32>
            tpu.vector_store_idx %arg16[%add3A_339, %get3A_285], %gather3A_334 masked %and3A : memref<8x4096xf32, #tpu.memory_space<vmem>>[vector<16xi32>, vector<16xi32>], vector<16xf32>, vector<16xi1>
            %broadcast_in_dim3A_340 = arith.constant 0 : i32
            %broadcast_in_dim3A_341 = vector.broadcast %broadcast_in_dim3A_340 : i32 to vector<16xi32>
            %add3A_342 = arith.constant 4 : i32
            %add3A_343 = vector.broadcast %add3A_342 : i32 to vector<16xi32>
            %add3A_344 = arith.addi %broadcast_in_dim3A_341, %add3A_343 : vector<16xi32>
            %gather3A_345 = tpu.vector_load_idx %arg12[%add3A_344, %min3A_295] masked %and3A : memref<8x2048xf32, #tpu.memory_space<vmem>>[vector<16xi32>, vector<16xi32>], vector<16xf32>, vector<16xi1>
            %broadcast_in_dim3A_346 = arith.constant 0 : i32
            %broadcast_in_dim3A_347 = vector.broadcast %broadcast_in_dim3A_346 : i32 to vector<16xi32>
            %add3A_348 = arith.constant 4 : i32
            %add3A_349 = vector.broadcast %add3A_348 : i32 to vector<16xi32>
            %add3A_350 = arith.addi %broadcast_in_dim3A_347, %add3A_349 : vector<16xi32>
            tpu.vector_store_idx %arg16[%add3A_350, %get3A_285], %gather3A_345 masked %and3A : memref<8x4096xf32, #tpu.memory_space<vmem>>[vector<16xi32>, vector<16xi32>], vector<16xf32>, vector<16xi1>
            %broadcast_in_dim3A_351 = arith.constant 0 : i32
            %broadcast_in_dim3A_352 = vector.broadcast %broadcast_in_dim3A_351 : i32 to vector<16xi32>
            %add3A_353 = arith.constant 5 : i32
            %add3A_354 = vector.broadcast %add3A_353 : i32 to vector<16xi32>
            %add3A_355 = arith.addi %broadcast_in_dim3A_352, %add3A_354 : vector<16xi32>
            %gather3A_356 = tpu.vector_load_idx %arg12[%add3A_355, %min3A_295] masked %and3A : memref<8x2048xf32, #tpu.memory_space<vmem>>[vector<16xi32>, vector<16xi32>], vector<16xf32>, vector<16xi1>
            %broadcast_in_dim3A_357 = arith.constant 0 : i32
            %broadcast_in_dim3A_358 = vector.broadcast %broadcast_in_dim3A_357 : i32 to vector<16xi32>
            %add3A_359 = arith.constant 5 : i32
            %add3A_360 = vector.broadcast %add3A_359 : i32 to vector<16xi32>
            %add3A_361 = arith.addi %broadcast_in_dim3A_358, %add3A_360 : vector<16xi32>
            tpu.vector_store_idx %arg16[%add3A_361, %get3A_285], %gather3A_356 masked %and3A : memref<8x4096xf32, #tpu.memory_space<vmem>>[vector<16xi32>, vector<16xi32>], vector<16xf32>, vector<16xi1>
            %broadcast_in_dim3A_362 = arith.constant 0 : i32
            %broadcast_in_dim3A_363 = vector.broadcast %broadcast_in_dim3A_362 : i32 to vector<16xi32>
            %add3A_364 = arith.constant 6 : i32
            %add3A_365 = vector.broadcast %add3A_364 : i32 to vector<16xi32>
            %add3A_366 = arith.addi %broadcast_in_dim3A_363, %add3A_365 : vector<16xi32>
            %gather3A_367 = tpu.vector_load_idx %arg12[%add3A_366, %min3A_295] masked %and3A : memref<8x2048xf32, #tpu.memory_space<vmem>>[vector<16xi32>, vector<16xi32>], vector<16xf32>, vector<16xi1>
            %broadcast_in_dim3A_368 = arith.constant 0 : i32
            %broadcast_in_dim3A_369 = vector.broadcast %broadcast_in_dim3A_368 : i32 to vector<16xi32>
            %add3A_370 = arith.constant 6 : i32
            %add3A_371 = vector.broadcast %add3A_370 : i32 to vector<16xi32>
            %add3A_372 = arith.addi %broadcast_in_dim3A_369, %add3A_371 : vector<16xi32>
            tpu.vector_store_idx %arg16[%add3A_372, %get3A_285], %gather3A_367 masked %and3A : memref<8x4096xf32, #tpu.memory_space<vmem>>[vector<16xi32>, vector<16xi32>], vector<16xf32>, vector<16xi1>
            %broadcast_in_dim3A_373 = arith.constant 0 : i32
            %broadcast_in_dim3A_374 = vector.broadcast %broadcast_in_dim3A_373 : i32 to vector<16xi32>
            %add3A_375 = arith.constant 7 : i32
            %add3A_376 = vector.broadcast %add3A_375 : i32 to vector<16xi32>
            %add3A_377 = arith.addi %broadcast_in_dim3A_374, %add3A_376 : vector<16xi32>
            %gather3A_378 = tpu.vector_load_idx %arg12[%add3A_377, %min3A_295] masked %and3A : memref<8x2048xf32, #tpu.memory_space<vmem>>[vector<16xi32>, vector<16xi32>], vector<16xf32>, vector<16xi1>
            %broadcast_in_dim3A_379 = arith.constant 0 : i32
            %broadcast_in_dim3A_380 = vector.broadcast %broadcast_in_dim3A_379 : i32 to vector<16xi32>
            %add3A_381 = arith.constant 7 : i32
            %add3A_382 = vector.broadcast %add3A_381 : i32 to vector<16xi32>
            %add3A_383 = arith.addi %broadcast_in_dim3A_380, %add3A_382 : vector<16xi32>
            tpu.vector_store_idx %arg16[%add3A_383, %get3A_285], %gather3A_378 masked %and3A : memref<8x4096xf32, #tpu.memory_space<vmem>>[vector<16xi32>, vector<16xi32>], vector<16xf32>, vector<16xi1>
          }
          %while3A_233 = arith.constant 1 : i32
          scf.for %while3A_280 = %while3A_231 to %while3A_227 step %while3A_233  : i32 {
            %mul3A_281 = arith.constant 16 : i32
            %mul3A_282 = arith.muli %while3A_280, %mul3A_281 : i32
            %get3A = arith.index_cast %mul3A_282 : i32 to index
            %get3A_283 = tpu.vector_load %arg8[%get3A] {strides = array<i32>} : memref<4096xi32, #tpu.memory_space<vmem>>, vector<16xi32>,
            %get3A_284 = arith.index_cast %mul3A_282 : i32 to index
            %get3A_285 = tpu.vector_load %arg9[%get3A_284] {strides = array<i32>} : memref<4096xi32, #tpu.memory_space<vmem>>, vector<16xi32>,
            %ge3A = vector.broadcast %mul3A_206 : i32 to vector<16xi32>
            %ge3A_286 = arith.cmpi sge, %get3A_283, %ge3A : vector<16xi32>
            %add3A_287 = arith.constant 2048 : i32
            %add3A_288 = arith.addi %mul3A_206, %add3A_287 : i32
            %lt3A_289 = vector.broadcast %add3A_288 : i32 to vector<16xi32>
            %lt3A_290 = arith.cmpi slt, %get3A_283, %lt3A_289 : vector<16xi32>
            %and3A = arith.andi %ge3A_286, %lt3A_290 : vector<16xi1>
            %sub3A_291 = vector.broadcast %mul3A_206 : i32 to vector<16xi32>
            %sub3A_292 = arith.subi %get3A_283, %sub3A_291 : vector<16xi32>
            %jit3A = arith.constant 0 : i32
            %jit3A_293 = arith.constant 2047 : i32
            %max3A = vector.broadcast %jit3A : i32 to vector<16xi32>
            %max3A_294 = arith.maxsi %max3A, %sub3A_292 : vector<16xi32>
            %min3A = vector.broadcast %jit3A_293 : i32 to vector<16xi32>
            %min3A_295 = arith.minsi %min3A, %max3A_294 : vector<16xi32>
            %broadcast_in_dim3A_296 = arith.constant 0 : i32
            %broadcast_in_dim3A_297 = vector.broadcast %broadcast_in_dim3A_296 : i32 to vector<16xi32>
            %add3A_298 = arith.constant 0 : i32
            %add3A_299 = vector.broadcast %add3A_298 : i32 to vector<16xi32>
            %add3A_300 = arith.addi %broadcast_in_dim3A_297, %add3A_299 : vector<16xi32>
            %gather3A_301 = tpu.vector_load_idx %arg12[%add3A_300, %min3A_295] masked %and3A : memref<8x2048xf32, #tpu.memory_space<vmem>>[vector<16xi32>, vector<16xi32>], vector<16xf32>, vector<16xi1>
            %broadcast_in_dim3A_302 = arith.constant 0 : i32
            %broadcast_in_dim3A_303 = vector.broadcast %broadcast_in_dim3A_302 : i32 to vector<16xi32>
            %add3A_304 = arith.constant 0 : i32
            %add3A_305 = vector.broadcast %add3A_304 : i32 to vector<16xi32>
            %add3A_306 = arith.addi %broadcast_in_dim3A_303, %add3A_305 : vector<16xi32>
            tpu.vector_store_idx %arg16[%add3A_306, %get3A_285], %gather3A_301 masked %and3A : memref<8x4096xf32, #tpu.memory_space<vmem>>[vector<16xi32>, vector<16xi32>], vector<16xf32>, vector<16xi1>
            %broadcast_in_dim3A_307 = arith.constant 0 : i32
            %broadcast_in_dim3A_308 = vector.broadcast %broadcast_in_dim3A_307 : i32 to vector<16xi32>
            %add3A_309 = arith.constant 1 : i32
            %add3A_310 = vector.broadcast %add3A_309 : i32 to vector<16xi32>
            %add3A_311 = arith.addi %broadcast_in_dim3A_308, %add3A_310 : vector<16xi32>
            %gather3A_312 = tpu.vector_load_idx %arg12[%add3A_311, %min3A_295] masked %and3A : memref<8x2048xf32, #tpu.memory_space<vmem>>[vector<16xi32>, vector<16xi32>], vector<16xf32>, vector<16xi1>
            %broadcast_in_dim3A_313 = arith.constant 0 : i32
            %broadcast_in_dim3A_314 = vector.broadcast %broadcast_in_dim3A_313 : i32 to vector<16xi32>
            %add3A_315 = arith.constant 1 : i32
            %add3A_316 = vector.broadcast %add3A_315 : i32 to vector<16xi32>
            %add3A_317 = arith.addi %broadcast_in_dim3A_314, %add3A_316 : vector<16xi32>
            tpu.vector_store_idx %arg16[%add3A_317, %get3A_285], %gather3A_312 masked %and3A : memref<8x4096xf32, #tpu.memory_space<vmem>>[vector<16xi32>, vector<16xi32>], vector<16xf32>, vector<16xi1>
            %broadcast_in_dim3A_318 = arith.constant 0 : i32
            %broadcast_in_dim3A_319 = vector.broadcast %broadcast_in_dim3A_318 : i32 to vector<16xi32>
            %add3A_320 = arith.constant 2 : i32
            %add3A_321 = vector.broadcast %add3A_320 : i32 to vector<16xi32>
            %add3A_322 = arith.addi %broadcast_in_dim3A_319, %add3A_321 : vector<16xi32>
            %gather3A_323 = tpu.vector_load_idx %arg12[%add3A_322, %min3A_295] masked %and3A : memref<8x2048xf32, #tpu.memory_space<vmem>>[vector<16xi32>, vector<16xi32>], vector<16xf32>, vector<16xi1>
            %broadcast_in_dim3A_324 = arith.constant 0 : i32
            %broadcast_in_dim3A_325 = vector.broadcast %broadcast_in_dim3A_324 : i32 to vector<16xi32>
            %add3A_326 = arith.constant 2 : i32
            %add3A_327 = vector.broadcast %add3A_326 : i32 to vector<16xi32>
            %add3A_328 = arith.addi %broadcast_in_dim3A_325, %add3A_327 : vector<16xi32>
            tpu.vector_store_idx %arg16[%add3A_328, %get3A_285], %gather3A_323 masked %and3A : memref<8x4096xf32, #tpu.memory_space<vmem>>[vector<16xi32>, vector<16xi32>], vector<16xf32>, vector<16xi1>
            %broadcast_in_dim3A_329 = arith.constant 0 : i32
            %broadcast_in_dim3A_330 = vector.broadcast %broadcast_in_dim3A_329 : i32 to vector<16xi32>
            %add3A_331 = arith.constant 3 : i32
            %add3A_332 = vector.broadcast %add3A_331 : i32 to vector<16xi32>
            %add3A_333 = arith.addi %broadcast_in_dim3A_330, %add3A_332 : vector<16xi32>
            %gather3A_334 = tpu.vector_load_idx %arg12[%add3A_333, %min3A_295] masked %and3A : memref<8x2048xf32, #tpu.memory_space<vmem>>[vector<16xi32>, vector<16xi32>], vector<16xf32>, vector<16xi1>
            %broadcast_in_dim3A_335 = arith.constant 0 : i32
            %broadcast_in_dim3A_336 = vector.broadcast %broadcast_in_dim3A_335 : i32 to vector<16xi32>
            %add3A_337 = arith.constant 3 : i32
            %add3A_338 = vector.broadcast %add3A_337 : i32 to vector<16xi32>
            %add3A_339 = arith.addi %broadcast_in_dim3A_336, %add3A_338 : vector<16xi32>
            tpu.vector_store_idx %arg16[%add3A_339, %get3A_285], %gather3A_334 masked %and3A : memref<8x4096xf32, #tpu.memory_space<vmem>>[vector<16xi32>, vector<16xi32>], vector<16xf32>, vector<16xi1>
            %broadcast_in_dim3A_340 = arith.constant 0 : i32
            %broadcast_in_dim3A_341 = vector.broadcast %broadcast_in_dim3A_340 : i32 to vector<16xi32>
            %add3A_342 = arith.constant 4 : i32
            %add3A_343 = vector.broadcast %add3A_342 : i32 to vector<16xi32>
            %add3A_344 = arith.addi %broadcast_in_dim3A_341, %add3A_343 : vector<16xi32>
            %gather3A_345 = tpu.vector_load_idx %arg12[%add3A_344, %min3A_295] masked %and3A : memref<8x2048xf32, #tpu.memory_space<vmem>>[vector<16xi32>, vector<16xi32>], vector<16xf32>, vector<16xi1>
            %broadcast_in_dim3A_346 = arith.constant 0 : i32
            %broadcast_in_dim3A_347 = vector.broadcast %broadcast_in_dim3A_346 : i32 to vector<16xi32>
            %add3A_348 = arith.constant 4 : i32
            %add3A_349 = vector.broadcast %add3A_348 : i32 to vector<16xi32>
            %add3A_350 = arith.addi %broadcast_in_dim3A_347, %add3A_349 : vector<16xi32>
            tpu.vector_store_idx %arg16[%add3A_350, %get3A_285], %gather3A_345 masked %and3A : memref<8x4096xf32, #tpu.memory_space<vmem>>[vector<16xi32>, vector<16xi32>], vector<16xf32>, vector<16xi1>
            %broadcast_in_dim3A_351 = arith.constant 0 : i32
            %broadcast_in_dim3A_352 = vector.broadcast %broadcast_in_dim3A_351 : i32 to vector<16xi32>
            %add3A_353 = arith.constant 5 : i32
            %add3A_354 = vector.broadcast %add3A_353 : i32 to vector<16xi32>
            %add3A_355 = arith.addi %broadcast_in_dim3A_352, %add3A_354 : vector<16xi32>
            %gather3A_356 = tpu.vector_load_idx %arg12[%add3A_355, %min3A_295] masked %and3A : memref<8x2048xf32, #tpu.memory_space<vmem>>[vector<16xi32>, vector<16xi32>], vector<16xf32>, vector<16xi1>
            %broadcast_in_dim3A_357 = arith.constant 0 : i32
            %broadcast_in_dim3A_358 = vector.broadcast %broadcast_in_dim3A_357 : i32 to vector<16xi32>
            %add3A_359 = arith.constant 5 : i32
            %add3A_360 = vector.broadcast %add3A_359 : i32 to vector<16xi32>
            %add3A_361 = arith.addi %broadcast_in_dim3A_358, %add3A_360 : vector<16xi32>
            tpu.vector_store_idx %arg16[%add3A_361, %get3A_285], %gather3A_356 masked %and3A : memref<8x4096xf32, #tpu.memory_space<vmem>>[vector<16xi32>, vector<16xi32>], vector<16xf32>, vector<16xi1>
            %broadcast_in_dim3A_362 = arith.constant 0 : i32
            %broadcast_in_dim3A_363 = vector.broadcast %broadcast_in_dim3A_362 : i32 to vector<16xi32>
            %add3A_364 = arith.constant 6 : i32
            %add3A_365 = vector.broadcast %add3A_364 : i32 to vector<16xi32>
            %add3A_366 = arith.addi %broadcast_in_dim3A_363, %add3A_365 : vector<16xi32>
            %gather3A_367 = tpu.vector_load_idx %arg12[%add3A_366, %min3A_295] masked %and3A : memref<8x2048xf32, #tpu.memory_space<vmem>>[vector<16xi32>, vector<16xi32>], vector<16xf32>, vector<16xi1>
            %broadcast_in_dim3A_368 = arith.constant 0 : i32
            %broadcast_in_dim3A_369 = vector.broadcast %broadcast_in_dim3A_368 : i32 to vector<16xi32>
            %add3A_370 = arith.constant 6 : i32
            %add3A_371 = vector.broadcast %add3A_370 : i32 to vector<16xi32>
            %add3A_372 = arith.addi %broadcast_in_dim3A_369, %add3A_371 : vector<16xi32>
            tpu.vector_store_idx %arg16[%add3A_372, %get3A_285], %gather3A_367 masked %and3A : memref<8x4096xf32, #tpu.memory_space<vmem>>[vector<16xi32>, vector<16xi32>], vector<16xf32>, vector<16xi1>
            %broadcast_in_dim3A_373 = arith.constant 0 : i32
            %broadcast_in_dim3A_374 = vector.broadcast %broadcast_in_dim3A_373 : i32 to vector<16xi32>
            %add3A_375 = arith.constant 7 : i32
            %add3A_376 = vector.broadcast %add3A_375 : i32 to vector<16xi32>
            %add3A_377 = arith.addi %broadcast_in_dim3A_374, %add3A_376 : vector<16xi32>
            %gather3A_378 = tpu.vector_load_idx %arg12[%add3A_377, %min3A_295] masked %and3A : memref<8x2048xf32, #tpu.memory_space<vmem>>[vector<16xi32>, vector<16xi32>], vector<16xf32>, vector<16xi1>
            %broadcast_in_dim3A_379 = arith.constant 0 : i32
            %broadcast_in_dim3A_380 = vector.broadcast %broadcast_in_dim3A_379 : i32 to vector<16xi32>
            %add3A_381 = arith.constant 7 : i32
            %add3A_382 = vector.broadcast %add3A_381 : i32 to vector<16xi32>
            %add3A_383 = arith.addi %broadcast_in_dim3A_380, %add3A_382 : vector<16xi32>
            tpu.vector_store_idx %arg16[%add3A_383, %get3A_285], %gather3A_378 masked %and3A : memref<8x4096xf32, #tpu.memory_space<vmem>>[vector<16xi32>, vector<16xi32>], vector<16xf32>, vector<16xi1>
          }
          %add3A_234 = arith.constant 4 : i32
          %add3A_235 = arith.addi %mul3A_148, %add3A_234 : i32
          %lt3A_236 = arith.constant 48 : i32
          %lt3A_237 = arith.cmpi slt, %add3A_235, %lt3A_236 : i32
          %convert_element_type3A_238 = arith.extui %lt3A_237 : i1 to i32
          %cond3A_239 = arith.constant 0 : i32
          %cond3A_240 = arith.cmpi ne, %convert_element_type3A_238, %cond3A_239 : i32
          scf.if %cond3A_240 {
            %add3A_280 = arith.constant 4 : i32
            %add3A_281 = arith.addi %mul3A_148, %add3A_280 : i32
            %mul3A_282 = arith.constant 2048 : i32
            %mul3A_283 = arith.muli %add3A_281, %mul3A_282 : i32
            %dma_start3A_284 = tpu.memref_slice %arg2[%add3A_18, %mul3A_283] : memref<832x100000xf32, #tpu.memory_space<hbm>> -> memref<8x2048xf32, #tpu.memory_space<hbm>>
            %dma_start3A_285 = tpu.memref_slice %arg2[%add3A_18, %mul3A_283] : memref<832x100000xf32, #tpu.memory_space<hbm>> -> memref<8x2048xf32, #tpu.memory_space<hbm>>
            tpu.enqueue_dma source(%dma_start3A_285 : memref<8x2048xf32, #tpu.memory_space<hbm>>) target(%arg12 : memref<8x2048xf32, #tpu.memory_space<vmem>>) target_semaphore(%arg17 : memref<!tpu.dma_semaphore, #tpu.memory_space<semaphore_mem>>)
          } else {
          }
          %add3A_241 = arith.constant 2 : i32
          %add3A_242 = arith.addi %mul3A_148, %add3A_241 : i32
          %mul3A_243 = arith.constant 2048 : i32
          %mul3A_244 = arith.muli %add3A_242, %mul3A_243 : i32
          %dma_wait3A_245 = tpu.memref_slice %arg2[%add3A_18, %mul3A_244] : memref<832x100000xf32, #tpu.memory_space<hbm>> -> memref<8x2048xf32, #tpu.memory_space<hbm>>
          %dma_wait3A_246 = tpu.memref_slice %arg2[%add3A_18, %mul3A_244] : memref<832x100000xf32, #tpu.memory_space<hbm>> -> memref<8x2048xf32, #tpu.memory_space<hbm>>
          tpu.wait_dma2 semaphore(%arg17 : memref<!tpu.dma_semaphore, #tpu.memory_space<semaphore_mem>>) src(%dma_wait3A_246 : memref<8x2048xf32, #tpu.memory_space<hbm>>) dst(%arg13 : memref<8x2048xf32, #tpu.memory_space<vmem>>)
          %add3A_247 = arith.constant 2 : i32
          %add3A_248 = arith.addi %mul3A_148, %add3A_247 : i32
          %add3A_249 = arith.constant 2 : i32
          %add3A_250 = arith.addi %mul3A_148, %add3A_249 : i32
          %mul3A_251 = arith.constant 2048 : i32
          %mul3A_252 = arith.muli %add3A_250, %mul3A_251 : i32
          %broadcast_in_dim3A_253 = arith.constant 0 : i32
          %broadcast_in_dim3A_254 = vector.broadcast %broadcast_in_dim3A_253 : i32 to vector<16xi32>
          %add3A_255 = vector.broadcast %add3A_248 : i32 to vector<16xi32>
          %add3A_256 = arith.addi %broadcast_in_dim3A_254, %add3A_255 : vector<16xi32>
          %add3A_257 = arith.addi %add3A_256, %iota3A : vector<16xi32>
          %gather3A_258 = tpu.vector_load_idx %arg10[%add3A_257] : memref<80xi32, #tpu.memory_space<vmem>>[vector<16xi32>], vector<16xi32>,
          %slice3A_259 = vector.extract_strided_slice %gather3A_258 {offsets = [0], sizes = [1], strides = [1]} : vector<16xi32> to vector<1xi32>
          %squeeze3A_260 = vector.extract %slice3A_259[0] : i32 from vector<1xi32>
          %slice3A_261 = vector.extract_strided_slice %gather3A_258 {offsets = [1], sizes = [1], strides = [1]} : vector<16xi32> to vector<1xi32>
          %squeeze3A_262 = vector.extract %slice3A_261[0] : i32 from vector<1xi32>
          %div3A_263 = arith.constant 16 : i32
          %div3A_264 = arith.divsi %squeeze3A_260, %div3A_263 : i32
          %add3A_265 = arith.constant 16 : i32
          %add3A_266 = arith.addi %squeeze3A_262, %add3A_265 : i32
          %sub3A_267 = arith.constant 1 : i32
          %sub3A_268 = arith.subi %add3A_266, %sub3A_267 : i32
          %div3A_269 = arith.constant 16 : i32
          %div3A_270 = arith.divsi %sub3A_268, %div3A_269 : i32
          %while3A_271 = arith.constant 0 : i32
          %while3A_272 = arith.subi %div3A_270, %div3A_264 : i32
          %while3A_273 = arith.addi %div3A_264, %while3A_272 : i32
          %while3A_274 = arith.constant 1 : i32
          %while3A_275 = arith.divsi %while3A_272, %while3A_274 : i32
          %while3A_276 = arith.muli %while3A_275, %while3A_274 : i32
          %while3A_277 = arith.addi %div3A_264, %while3A_276 : i32
          %while3A_278 = arith.constant 1 : i32
          scf.for %while3A_280 = %div3A_264 to %while3A_277 step %while3A_278  : i32 {
            %mul3A_281 = arith.constant 16 : i32
            %mul3A_282 = arith.muli %while3A_280, %mul3A_281 : i32
            %get3A = arith.index_cast %mul3A_282 : i32 to index
            %get3A_283 = tpu.vector_load %arg8[%get3A] {strides = array<i32>} : memref<4096xi32, #tpu.memory_space<vmem>>, vector<16xi32>,
            %get3A_284 = arith.index_cast %mul3A_282 : i32 to index
            %get3A_285 = tpu.vector_load %arg9[%get3A_284] {strides = array<i32>} : memref<4096xi32, #tpu.memory_space<vmem>>, vector<16xi32>,
            %ge3A = vector.broadcast %mul3A_252 : i32 to vector<16xi32>
            %ge3A_286 = arith.cmpi sge, %get3A_283, %ge3A : vector<16xi32>
            %add3A_287 = arith.constant 2048 : i32
            %add3A_288 = arith.addi %mul3A_252, %add3A_287 : i32
            %lt3A_289 = vector.broadcast %add3A_288 : i32 to vector<16xi32>
            %lt3A_290 = arith.cmpi slt, %get3A_283, %lt3A_289 : vector<16xi32>
            %and3A = arith.andi %ge3A_286, %lt3A_290 : vector<16xi1>
            %sub3A_291 = vector.broadcast %mul3A_252 : i32 to vector<16xi32>
            %sub3A_292 = arith.subi %get3A_283, %sub3A_291 : vector<16xi32>
            %jit3A = arith.constant 0 : i32
            %jit3A_293 = arith.constant 2047 : i32
            %max3A = vector.broadcast %jit3A : i32 to vector<16xi32>
            %max3A_294 = arith.maxsi %max3A, %sub3A_292 : vector<16xi32>
            %min3A = vector.broadcast %jit3A_293 : i32 to vector<16xi32>
            %min3A_295 = arith.minsi %min3A, %max3A_294 : vector<16xi32>
            %broadcast_in_dim3A_296 = arith.constant 0 : i32
            %broadcast_in_dim3A_297 = vector.broadcast %broadcast_in_dim3A_296 : i32 to vector<16xi32>
            %add3A_298 = arith.constant 0 : i32
            %add3A_299 = vector.broadcast %add3A_298 : i32 to vector<16xi32>
            %add3A_300 = arith.addi %broadcast_in_dim3A_297, %add3A_299 : vector<16xi32>
            %gather3A_301 = tpu.vector_load_idx %arg13[%add3A_300, %min3A_295] masked %and3A : memref<8x2048xf32, #tpu.memory_space<vmem>>[vector<16xi32>, vector<16xi32>], vector<16xf32>, vector<16xi1>
            %broadcast_in_dim3A_302 = arith.constant 0 : i32
            %broadcast_in_dim3A_303 = vector.broadcast %broadcast_in_dim3A_302 : i32 to vector<16xi32>
            %add3A_304 = arith.constant 0 : i32
            %add3A_305 = vector.broadcast %add3A_304 : i32 to vector<16xi32>
            %add3A_306 = arith.addi %broadcast_in_dim3A_303, %add3A_305 : vector<16xi32>
            tpu.vector_store_idx %arg16[%add3A_306, %get3A_285], %gather3A_301 masked %and3A : memref<8x4096xf32, #tpu.memory_space<vmem>>[vector<16xi32>, vector<16xi32>], vector<16xf32>, vector<16xi1>
            %broadcast_in_dim3A_307 = arith.constant 0 : i32
            %broadcast_in_dim3A_308 = vector.broadcast %broadcast_in_dim3A_307 : i32 to vector<16xi32>
            %add3A_309 = arith.constant 1 : i32
            %add3A_310 = vector.broadcast %add3A_309 : i32 to vector<16xi32>
            %add3A_311 = arith.addi %broadcast_in_dim3A_308, %add3A_310 : vector<16xi32>
            %gather3A_312 = tpu.vector_load_idx %arg13[%add3A_311, %min3A_295] masked %and3A : memref<8x2048xf32, #tpu.memory_space<vmem>>[vector<16xi32>, vector<16xi32>], vector<16xf32>, vector<16xi1>
            %broadcast_in_dim3A_313 = arith.constant 0 : i32
            %broadcast_in_dim3A_314 = vector.broadcast %broadcast_in_dim3A_313 : i32 to vector<16xi32>
            %add3A_315 = arith.constant 1 : i32
            %add3A_316 = vector.broadcast %add3A_315 : i32 to vector<16xi32>
            %add3A_317 = arith.addi %broadcast_in_dim3A_314, %add3A_316 : vector<16xi32>
            tpu.vector_store_idx %arg16[%add3A_317, %get3A_285], %gather3A_312 masked %and3A : memref<8x4096xf32, #tpu.memory_space<vmem>>[vector<16xi32>, vector<16xi32>], vector<16xf32>, vector<16xi1>
            %broadcast_in_dim3A_318 = arith.constant 0 : i32
            %broadcast_in_dim3A_319 = vector.broadcast %broadcast_in_dim3A_318 : i32 to vector<16xi32>
            %add3A_320 = arith.constant 2 : i32
            %add3A_321 = vector.broadcast %add3A_320 : i32 to vector<16xi32>
            %add3A_322 = arith.addi %broadcast_in_dim3A_319, %add3A_321 : vector<16xi32>
            %gather3A_323 = tpu.vector_load_idx %arg13[%add3A_322, %min3A_295] masked %and3A : memref<8x2048xf32, #tpu.memory_space<vmem>>[vector<16xi32>, vector<16xi32>], vector<16xf32>, vector<16xi1>
            %broadcast_in_dim3A_324 = arith.constant 0 : i32
            %broadcast_in_dim3A_325 = vector.broadcast %broadcast_in_dim3A_324 : i32 to vector<16xi32>
            %add3A_326 = arith.constant 2 : i32
            %add3A_327 = vector.broadcast %add3A_326 : i32 to vector<16xi32>
            %add3A_328 = arith.addi %broadcast_in_dim3A_325, %add3A_327 : vector<16xi32>
            tpu.vector_store_idx %arg16[%add3A_328, %get3A_285], %gather3A_323 masked %and3A : memref<8x4096xf32, #tpu.memory_space<vmem>>[vector<16xi32>, vector<16xi32>], vector<16xf32>, vector<16xi1>
            %broadcast_in_dim3A_329 = arith.constant 0 : i32
            %broadcast_in_dim3A_330 = vector.broadcast %broadcast_in_dim3A_329 : i32 to vector<16xi32>
            %add3A_331 = arith.constant 3 : i32
            %add3A_332 = vector.broadcast %add3A_331 : i32 to vector<16xi32>
            %add3A_333 = arith.addi %broadcast_in_dim3A_330, %add3A_332 : vector<16xi32>
            %gather3A_334 = tpu.vector_load_idx %arg13[%add3A_333, %min3A_295] masked %and3A : memref<8x2048xf32, #tpu.memory_space<vmem>>[vector<16xi32>, vector<16xi32>], vector<16xf32>, vector<16xi1>
            %broadcast_in_dim3A_335 = arith.constant 0 : i32
            %broadcast_in_dim3A_336 = vector.broadcast %broadcast_in_dim3A_335 : i32 to vector<16xi32>
            %add3A_337 = arith.constant 3 : i32
            %add3A_338 = vector.broadcast %add3A_337 : i32 to vector<16xi32>
            %add3A_339 = arith.addi %broadcast_in_dim3A_336, %add3A_338 : vector<16xi32>
            tpu.vector_store_idx %arg16[%add3A_339, %get3A_285], %gather3A_334 masked %and3A : memref<8x4096xf32, #tpu.memory_space<vmem>>[vector<16xi32>, vector<16xi32>], vector<16xf32>, vector<16xi1>
            %broadcast_in_dim3A_340 = arith.constant 0 : i32
            %broadcast_in_dim3A_341 = vector.broadcast %broadcast_in_dim3A_340 : i32 to vector<16xi32>
            %add3A_342 = arith.constant 4 : i32
            %add3A_343 = vector.broadcast %add3A_342 : i32 to vector<16xi32>
            %add3A_344 = arith.addi %broadcast_in_dim3A_341, %add3A_343 : vector<16xi32>
            %gather3A_345 = tpu.vector_load_idx %arg13[%add3A_344, %min3A_295] masked %and3A : memref<8x2048xf32, #tpu.memory_space<vmem>>[vector<16xi32>, vector<16xi32>], vector<16xf32>, vector<16xi1>
            %broadcast_in_dim3A_346 = arith.constant 0 : i32
            %broadcast_in_dim3A_347 = vector.broadcast %broadcast_in_dim3A_346 : i32 to vector<16xi32>
            %add3A_348 = arith.constant 4 : i32
            %add3A_349 = vector.broadcast %add3A_348 : i32 to vector<16xi32>
            %add3A_350 = arith.addi %broadcast_in_dim3A_347, %add3A_349 : vector<16xi32>
            tpu.vector_store_idx %arg16[%add3A_350, %get3A_285], %gather3A_345 masked %and3A : memref<8x4096xf32, #tpu.memory_space<vmem>>[vector<16xi32>, vector<16xi32>], vector<16xf32>, vector<16xi1>
            %broadcast_in_dim3A_351 = arith.constant 0 : i32
            %broadcast_in_dim3A_352 = vector.broadcast %broadcast_in_dim3A_351 : i32 to vector<16xi32>
            %add3A_353 = arith.constant 5 : i32
            %add3A_354 = vector.broadcast %add3A_353 : i32 to vector<16xi32>
            %add3A_355 = arith.addi %broadcast_in_dim3A_352, %add3A_354 : vector<16xi32>
            %gather3A_356 = tpu.vector_load_idx %arg13[%add3A_355, %min3A_295] masked %and3A : memref<8x2048xf32, #tpu.memory_space<vmem>>[vector<16xi32>, vector<16xi32>], vector<16xf32>, vector<16xi1>
            %broadcast_in_dim3A_357 = arith.constant 0 : i32
            %broadcast_in_dim3A_358 = vector.broadcast %broadcast_in_dim3A_357 : i32 to vector<16xi32>
            %add3A_359 = arith.constant 5 : i32
            %add3A_360 = vector.broadcast %add3A_359 : i32 to vector<16xi32>
            %add3A_361 = arith.addi %broadcast_in_dim3A_358, %add3A_360 : vector<16xi32>
            tpu.vector_store_idx %arg16[%add3A_361, %get3A_285], %gather3A_356 masked %and3A : memref<8x4096xf32, #tpu.memory_space<vmem>>[vector<16xi32>, vector<16xi32>], vector<16xf32>, vector<16xi1>
            %broadcast_in_dim3A_362 = arith.constant 0 : i32
            %broadcast_in_dim3A_363 = vector.broadcast %broadcast_in_dim3A_362 : i32 to vector<16xi32>
            %add3A_364 = arith.constant 6 : i32
            %add3A_365 = vector.broadcast %add3A_364 : i32 to vector<16xi32>
            %add3A_366 = arith.addi %broadcast_in_dim3A_363, %add3A_365 : vector<16xi32>
            %gather3A_367 = tpu.vector_load_idx %arg13[%add3A_366, %min3A_295] masked %and3A : memref<8x2048xf32, #tpu.memory_space<vmem>>[vector<16xi32>, vector<16xi32>], vector<16xf32>, vector<16xi1>
            %broadcast_in_dim3A_368 = arith.constant 0 : i32
            %broadcast_in_dim3A_369 = vector.broadcast %broadcast_in_dim3A_368 : i32 to vector<16xi32>
            %add3A_370 = arith.constant 6 : i32
            %add3A_371 = vector.broadcast %add3A_370 : i32 to vector<16xi32>
            %add3A_372 = arith.addi %broadcast_in_dim3A_369, %add3A_371 : vector<16xi32>
            tpu.vector_store_idx %arg16[%add3A_372, %get3A_285], %gather3A_367 masked %and3A : memref<8x4096xf32, #tpu.memory_space<vmem>>[vector<16xi32>, vector<16xi32>], vector<16xf32>, vector<16xi1>
            %broadcast_in_dim3A_373 = arith.constant 0 : i32
            %broadcast_in_dim3A_374 = vector.broadcast %broadcast_in_dim3A_373 : i32 to vector<16xi32>
            %add3A_375 = arith.constant 7 : i32
            %add3A_376 = vector.broadcast %add3A_375 : i32 to vector<16xi32>
            %add3A_377 = arith.addi %broadcast_in_dim3A_374, %add3A_376 : vector<16xi32>
            %gather3A_378 = tpu.vector_load_idx %arg13[%add3A_377, %min3A_295] masked %and3A : memref<8x2048xf32, #tpu.memory_space<vmem>>[vector<16xi32>, vector<16xi32>], vector<16xf32>, vector<16xi1>
            %broadcast_in_dim3A_379 = arith.constant 0 : i32
            %broadcast_in_dim3A_380 = vector.broadcast %broadcast_in_dim3A_379 : i32 to vector<16xi32>
            %add3A_381 = arith.constant 7 : i32
            %add3A_382 = vector.broadcast %add3A_381 : i32 to vector<16xi32>
            %add3A_383 = arith.addi %broadcast_in_dim3A_380, %add3A_382 : vector<16xi32>
            tpu.vector_store_idx %arg16[%add3A_383, %get3A_285], %gather3A_378 masked %and3A : memref<8x4096xf32, #tpu.memory_space<vmem>>[vector<16xi32>, vector<16xi32>], vector<16xf32>, vector<16xi1>
          }
          %while3A_279 = arith.constant 1 : i32
          scf.for %while3A_280 = %while3A_277 to %while3A_273 step %while3A_279  : i32 {
            %mul3A_281 = arith.constant 16 : i32
            %mul3A_282 = arith.muli %while3A_280, %mul3A_281 : i32
            %get3A = arith.index_cast %mul3A_282 : i32 to index
            %get3A_283 = tpu.vector_load %arg8[%get3A] {strides = array<i32>} : memref<4096xi32, #tpu.memory_space<vmem>>, vector<16xi32>,
            %get3A_284 = arith.index_cast %mul3A_282 : i32 to index
            %get3A_285 = tpu.vector_load %arg9[%get3A_284] {strides = array<i32>} : memref<4096xi32, #tpu.memory_space<vmem>>, vector<16xi32>,
            %ge3A = vector.broadcast %mul3A_252 : i32 to vector<16xi32>
            %ge3A_286 = arith.cmpi sge, %get3A_283, %ge3A : vector<16xi32>
            %add3A_287 = arith.constant 2048 : i32
            %add3A_288 = arith.addi %mul3A_252, %add3A_287 : i32
            %lt3A_289 = vector.broadcast %add3A_288 : i32 to vector<16xi32>
            %lt3A_290 = arith.cmpi slt, %get3A_283, %lt3A_289 : vector<16xi32>
            %and3A = arith.andi %ge3A_286, %lt3A_290 : vector<16xi1>
            %sub3A_291 = vector.broadcast %mul3A_252 : i32 to vector<16xi32>
            %sub3A_292 = arith.subi %get3A_283, %sub3A_291 : vector<16xi32>
            %jit3A = arith.constant 0 : i32
            %jit3A_293 = arith.constant 2047 : i32
            %max3A = vector.broadcast %jit3A : i32 to vector<16xi32>
            %max3A_294 = arith.maxsi %max3A, %sub3A_292 : vector<16xi32>
            %min3A = vector.broadcast %jit3A_293 : i32 to vector<16xi32>
            %min3A_295 = arith.minsi %min3A, %max3A_294 : vector<16xi32>
            %broadcast_in_dim3A_296 = arith.constant 0 : i32
            %broadcast_in_dim3A_297 = vector.broadcast %broadcast_in_dim3A_296 : i32 to vector<16xi32>
            %add3A_298 = arith.constant 0 : i32
            %add3A_299 = vector.broadcast %add3A_298 : i32 to vector<16xi32>
            %add3A_300 = arith.addi %broadcast_in_dim3A_297, %add3A_299 : vector<16xi32>
            %gather3A_301 = tpu.vector_load_idx %arg13[%add3A_300, %min3A_295] masked %and3A : memref<8x2048xf32, #tpu.memory_space<vmem>>[vector<16xi32>, vector<16xi32>], vector<16xf32>, vector<16xi1>
            %broadcast_in_dim3A_302 = arith.constant 0 : i32
            %broadcast_in_dim3A_303 = vector.broadcast %broadcast_in_dim3A_302 : i32 to vector<16xi32>
            %add3A_304 = arith.constant 0 : i32
            %add3A_305 = vector.broadcast %add3A_304 : i32 to vector<16xi32>
            %add3A_306 = arith.addi %broadcast_in_dim3A_303, %add3A_305 : vector<16xi32>
            tpu.vector_store_idx %arg16[%add3A_306, %get3A_285], %gather3A_301 masked %and3A : memref<8x4096xf32, #tpu.memory_space<vmem>>[vector<16xi32>, vector<16xi32>], vector<16xf32>, vector<16xi1>
            %broadcast_in_dim3A_307 = arith.constant 0 : i32
            %broadcast_in_dim3A_308 = vector.broadcast %broadcast_in_dim3A_307 : i32 to vector<16xi32>
            %add3A_309 = arith.constant 1 : i32
            %add3A_310 = vector.broadcast %add3A_309 : i32 to vector<16xi32>
            %add3A_311 = arith.addi %broadcast_in_dim3A_308, %add3A_310 : vector<16xi32>
            %gather3A_312 = tpu.vector_load_idx %arg13[%add3A_311, %min3A_295] masked %and3A : memref<8x2048xf32, #tpu.memory_space<vmem>>[vector<16xi32>, vector<16xi32>], vector<16xf32>, vector<16xi1>
            %broadcast_in_dim3A_313 = arith.constant 0 : i32
            %broadcast_in_dim3A_314 = vector.broadcast %broadcast_in_dim3A_313 : i32 to vector<16xi32>
            %add3A_315 = arith.constant 1 : i32
            %add3A_316 = vector.broadcast %add3A_315 : i32 to vector<16xi32>
            %add3A_317 = arith.addi %broadcast_in_dim3A_314, %add3A_316 : vector<16xi32>
            tpu.vector_store_idx %arg16[%add3A_317, %get3A_285], %gather3A_312 masked %and3A : memref<8x4096xf32, #tpu.memory_space<vmem>>[vector<16xi32>, vector<16xi32>], vector<16xf32>, vector<16xi1>
            %broadcast_in_dim3A_318 = arith.constant 0 : i32
            %broadcast_in_dim3A_319 = vector.broadcast %broadcast_in_dim3A_318 : i32 to vector<16xi32>
            %add3A_320 = arith.constant 2 : i32
            %add3A_321 = vector.broadcast %add3A_320 : i32 to vector<16xi32>
            %add3A_322 = arith.addi %broadcast_in_dim3A_319, %add3A_321 : vector<16xi32>
            %gather3A_323 = tpu.vector_load_idx %arg13[%add3A_322, %min3A_295] masked %and3A : memref<8x2048xf32, #tpu.memory_space<vmem>>[vector<16xi32>, vector<16xi32>], vector<16xf32>, vector<16xi1>
            %broadcast_in_dim3A_324 = arith.constant 0 : i32
            %broadcast_in_dim3A_325 = vector.broadcast %broadcast_in_dim3A_324 : i32 to vector<16xi32>
            %add3A_326 = arith.constant 2 : i32
            %add3A_327 = vector.broadcast %add3A_326 : i32 to vector<16xi32>
            %add3A_328 = arith.addi %broadcast_in_dim3A_325, %add3A_327 : vector<16xi32>
            tpu.vector_store_idx %arg16[%add3A_328, %get3A_285], %gather3A_323 masked %and3A : memref<8x4096xf32, #tpu.memory_space<vmem>>[vector<16xi32>, vector<16xi32>], vector<16xf32>, vector<16xi1>
            %broadcast_in_dim3A_329 = arith.constant 0 : i32
            %broadcast_in_dim3A_330 = vector.broadcast %broadcast_in_dim3A_329 : i32 to vector<16xi32>
            %add3A_331 = arith.constant 3 : i32
            %add3A_332 = vector.broadcast %add3A_331 : i32 to vector<16xi32>
            %add3A_333 = arith.addi %broadcast_in_dim3A_330, %add3A_332 : vector<16xi32>
            %gather3A_334 = tpu.vector_load_idx %arg13[%add3A_333, %min3A_295] masked %and3A : memref<8x2048xf32, #tpu.memory_space<vmem>>[vector<16xi32>, vector<16xi32>], vector<16xf32>, vector<16xi1>
            %broadcast_in_dim3A_335 = arith.constant 0 : i32
            %broadcast_in_dim3A_336 = vector.broadcast %broadcast_in_dim3A_335 : i32 to vector<16xi32>
            %add3A_337 = arith.constant 3 : i32
            %add3A_338 = vector.broadcast %add3A_337 : i32 to vector<16xi32>
            %add3A_339 = arith.addi %broadcast_in_dim3A_336, %add3A_338 : vector<16xi32>
            tpu.vector_store_idx %arg16[%add3A_339, %get3A_285], %gather3A_334 masked %and3A : memref<8x4096xf32, #tpu.memory_space<vmem>>[vector<16xi32>, vector<16xi32>], vector<16xf32>, vector<16xi1>
            %broadcast_in_dim3A_340 = arith.constant 0 : i32
            %broadcast_in_dim3A_341 = vector.broadcast %broadcast_in_dim3A_340 : i32 to vector<16xi32>
            %add3A_342 = arith.constant 4 : i32
            %add3A_343 = vector.broadcast %add3A_342 : i32 to vector<16xi32>
            %add3A_344 = arith.addi %broadcast_in_dim3A_341, %add3A_343 : vector<16xi32>
            %gather3A_345 = tpu.vector_load_idx %arg13[%add3A_344, %min3A_295] masked %and3A : memref<8x2048xf32, #tpu.memory_space<vmem>>[vector<16xi32>, vector<16xi32>], vector<16xf32>, vector<16xi1>
            %broadcast_in_dim3A_346 = arith.constant 0 : i32
            %broadcast_in_dim3A_347 = vector.broadcast %broadcast_in_dim3A_346 : i32 to vector<16xi32>
            %add3A_348 = arith.constant 4 : i32
            %add3A_349 = vector.broadcast %add3A_348 : i32 to vector<16xi32>
            %add3A_350 = arith.addi %broadcast_in_dim3A_347, %add3A_349 : vector<16xi32>
            tpu.vector_store_idx %arg16[%add3A_350, %get3A_285], %gather3A_345 masked %and3A : memref<8x4096xf32, #tpu.memory_space<vmem>>[vector<16xi32>, vector<16xi32>], vector<16xf32>, vector<16xi1>
            %broadcast_in_dim3A_351 = arith.constant 0 : i32
            %broadcast_in_dim3A_352 = vector.broadcast %broadcast_in_dim3A_351 : i32 to vector<16xi32>
            %add3A_353 = arith.constant 5 : i32
            %add3A_354 = vector.broadcast %add3A_353 : i32 to vector<16xi32>
            %add3A_355 = arith.addi %broadcast_in_dim3A_352, %add3A_354 : vector<16xi32>
            %gather3A_356 = tpu.vector_load_idx %arg13[%add3A_355, %min3A_295] masked %and3A : memref<8x2048xf32, #tpu.memory_space<vmem>>[vector<16xi32>, vector<16xi32>], vector<16xf32>, vector<16xi1>
            %broadcast_in_dim3A_357 = arith.constant 0 : i32
            %broadcast_in_dim3A_358 = vector.broadcast %broadcast_in_dim3A_357 : i32 to vector<16xi32>
            %add3A_359 = arith.constant 5 : i32
            %add3A_360 = vector.broadcast %add3A_359 : i32 to vector<16xi32>
            %add3A_361 = arith.addi %broadcast_in_dim3A_358, %add3A_360 : vector<16xi32>
            tpu.vector_store_idx %arg16[%add3A_361, %get3A_285], %gather3A_356 masked %and3A : memref<8x4096xf32, #tpu.memory_space<vmem>>[vector<16xi32>, vector<16xi32>], vector<16xf32>, vector<16xi1>
            %broadcast_in_dim3A_362 = arith.constant 0 : i32
            %broadcast_in_dim3A_363 = vector.broadcast %broadcast_in_dim3A_362 : i32 to vector<16xi32>
            %add3A_364 = arith.constant 6 : i32
            %add3A_365 = vector.broadcast %add3A_364 : i32 to vector<16xi32>
            %add3A_366 = arith.addi %broadcast_in_dim3A_363, %add3A_365 : vector<16xi32>
            %gather3A_367 = tpu.vector_load_idx %arg13[%add3A_366, %min3A_295] masked %and3A : memref<8x2048xf32, #tpu.memory_space<vmem>>[vector<16xi32>, vector<16xi32>], vector<16xf32>, vector<16xi1>
            %broadcast_in_dim3A_368 = arith.constant 0 : i32
            %broadcast_in_dim3A_369 = vector.broadcast %broadcast_in_dim3A_368 : i32 to vector<16xi32>
            %add3A_370 = arith.constant 6 : i32
            %add3A_371 = vector.broadcast %add3A_370 : i32 to vector<16xi32>
            %add3A_372 = arith.addi %broadcast_in_dim3A_369, %add3A_371 : vector<16xi32>
            tpu.vector_store_idx %arg16[%add3A_372, %get3A_285], %gather3A_367 masked %and3A : memref<8x4096xf32, #tpu.memory_space<vmem>>[vector<16xi32>, vector<16xi32>], vector<16xf32>, vector<16xi1>
            %broadcast_in_dim3A_373 = arith.constant 0 : i32
            %broadcast_in_dim3A_374 = vector.broadcast %broadcast_in_dim3A_373 : i32 to vector<16xi32>
            %add3A_375 = arith.constant 7 : i32
            %add3A_376 = vector.broadcast %add3A_375 : i32 to vector<16xi32>
            %add3A_377 = arith.addi %broadcast_in_dim3A_374, %add3A_376 : vector<16xi32>
            %gather3A_378 = tpu.vector_load_idx %arg13[%add3A_377, %min3A_295] masked %and3A : memref<8x2048xf32, #tpu.memory_space<vmem>>[vector<16xi32>, vector<16xi32>], vector<16xf32>, vector<16xi1>
            %broadcast_in_dim3A_379 = arith.constant 0 : i32
            %broadcast_in_dim3A_380 = vector.broadcast %broadcast_in_dim3A_379 : i32 to vector<16xi32>
            %add3A_381 = arith.constant 7 : i32
            %add3A_382 = vector.broadcast %add3A_381 : i32 to vector<16xi32>
            %add3A_383 = arith.addi %broadcast_in_dim3A_380, %add3A_382 : vector<16xi32>
            tpu.vector_store_idx %arg16[%add3A_383, %get3A_285], %gather3A_378 masked %and3A : memref<8x4096xf32, #tpu.memory_space<vmem>>[vector<16xi32>, vector<16xi32>], vector<16xf32>, vector<16xi1>
          }
        }
        %scan3A_72 = arith.constant 16 : i32
        %dma_wait3A = arith.constant 98304 : i32
        %dma_wait3A_73 = tpu.memref_slice %arg2[%add3A_18, %dma_wait3A] : memref<832x100000xf32, #tpu.memory_space<hbm>> -> memref<8x1664xf32, #tpu.memory_space<hbm>>
        %dma_wait3A_74 = arith.constant 98304 : i32
        %dma_wait3A_75 = tpu.memref_slice %arg2[%add3A_18, %dma_wait3A_74] : memref<832x100000xf32, #tpu.memory_space<hbm>> -> memref<8x1664xf32, #tpu.memory_space<hbm>>
        tpu.wait_dma2 semaphore(%arg18 : memref<!tpu.dma_semaphore, #tpu.memory_space<semaphore_mem>>) src(%dma_wait3A_75 : memref<8x1664xf32, #tpu.memory_space<hbm>>) dst(%arg14 : memref<8x1664xf32, #tpu.memory_space<vmem>>)
        %broadcast_in_dim3A = arith.constant 0 : i32
        %broadcast_in_dim3A_76 = vector.broadcast %broadcast_in_dim3A : i32 to vector<16xi32>
        %add3A_77 = arith.constant 48 : i32
        %add3A_78 = vector.broadcast %add3A_77 : i32 to vector<16xi32>
        %add3A_79 = arith.addi %broadcast_in_dim3A_76, %add3A_78 : vector<16xi32>
        %add3A_80 = arith.addi %add3A_79, %iota3A : vector<16xi32>
        %gather3A = tpu.vector_load_idx %arg10[%add3A_80] : memref<80xi32, #tpu.memory_space<vmem>>[vector<16xi32>], vector<16xi32>,
        %slice3A = vector.extract_strided_slice %gather3A {offsets = [0], sizes = [1], strides = [1]} : vector<16xi32> to vector<1xi32>
        %squeeze3A = vector.extract %slice3A[0] : i32 from vector<1xi32>
        %slice3A_81 = vector.extract_strided_slice %gather3A {offsets = [1], sizes = [1], strides = [1]} : vector<16xi32> to vector<1xi32>
        %squeeze3A_82 = vector.extract %slice3A_81[0] : i32 from vector<1xi32>
        %div3A_83 = arith.constant 16 : i32
        %div3A_84 = arith.divsi %squeeze3A, %div3A_83 : i32
        %add3A_85 = arith.constant 16 : i32
        %add3A_86 = arith.addi %squeeze3A_82, %add3A_85 : i32
        %sub3A = arith.constant 1 : i32
        %sub3A_87 = arith.subi %add3A_86, %sub3A : i32
        %div3A_88 = arith.constant 16 : i32
        %div3A_89 = arith.divsi %sub3A_87, %div3A_88 : i32
        %while3A = arith.constant 0 : i32
        %while3A_90 = arith.subi %div3A_89, %div3A_84 : i32
        %while3A_91 = arith.addi %div3A_84, %while3A_90 : i32
        %while3A_92 = arith.constant 1 : i32
        %while3A_93 = arith.divsi %while3A_90, %while3A_92 : i32
        %while3A_94 = arith.muli %while3A_93, %while3A_92 : i32
        %while3A_95 = arith.addi %div3A_84, %while3A_94 : i32
        %while3A_96 = arith.constant 1 : i32
        scf.for %while3A_146 = %div3A_84 to %while3A_95 step %while3A_96  : i32 {
          %mul3A_147 = arith.constant 16 : i32
          %mul3A_148 = arith.muli %while3A_146, %mul3A_147 : i32
          %get3A = arith.index_cast %mul3A_148 : i32 to index
          %get3A_149 = tpu.vector_load %arg8[%get3A] {strides = array<i32>} : memref<4096xi32, #tpu.memory_space<vmem>>, vector<16xi32>,
          %get3A_150 = arith.index_cast %mul3A_148 : i32 to index
          %get3A_151 = tpu.vector_load %arg9[%get3A_150] {strides = array<i32>} : memref<4096xi32, #tpu.memory_space<vmem>>, vector<16xi32>,
          %ge3A = arith.constant 98304 : i32
          %ge3A_152 = vector.broadcast %ge3A : i32 to vector<16xi32>
          %ge3A_153 = arith.cmpi sge, %get3A_149, %ge3A_152 : vector<16xi32>
          %lt3A_154 = arith.constant 99968 : i32
          %lt3A_155 = vector.broadcast %lt3A_154 : i32 to vector<16xi32>
          %lt3A_156 = arith.cmpi slt, %get3A_149, %lt3A_155 : vector<16xi32>
          %and3A = arith.andi %ge3A_153, %lt3A_156 : vector<16xi1>
          %sub3A_157 = arith.constant 98304 : i32
          %sub3A_158 = vector.broadcast %sub3A_157 : i32 to vector<16xi32>
          %sub3A_159 = arith.subi %get3A_149, %sub3A_158 : vector<16xi32>
          %jit3A = arith.constant 0 : i32
          %jit3A_160 = arith.constant 1663 : i32
          %max3A = vector.broadcast %jit3A : i32 to vector<16xi32>
          %max3A_161 = arith.maxsi %max3A, %sub3A_159 : vector<16xi32>
          %min3A = vector.broadcast %jit3A_160 : i32 to vector<16xi32>
          %min3A_162 = arith.minsi %min3A, %max3A_161 : vector<16xi32>
          %broadcast_in_dim3A_163 = arith.constant 0 : i32
          %broadcast_in_dim3A_164 = vector.broadcast %broadcast_in_dim3A_163 : i32 to vector<16xi32>
          %add3A_165 = arith.constant 0 : i32
          %add3A_166 = vector.broadcast %add3A_165 : i32 to vector<16xi32>
          %add3A_167 = arith.addi %broadcast_in_dim3A_164, %add3A_166 : vector<16xi32>
          %gather3A_168 = tpu.vector_load_idx %arg14[%add3A_167, %min3A_162] masked %and3A : memref<8x1664xf32, #tpu.memory_space<vmem>>[vector<16xi32>, vector<16xi32>], vector<16xf32>, vector<16xi1>
          %broadcast_in_dim3A_169 = arith.constant 0 : i32
          %broadcast_in_dim3A_170 = vector.broadcast %broadcast_in_dim3A_169 : i32 to vector<16xi32>
          %add3A_171 = arith.constant 0 : i32
          %add3A_172 = vector.broadcast %add3A_171 : i32 to vector<16xi32>
          %add3A_173 = arith.addi %broadcast_in_dim3A_170, %add3A_172 : vector<16xi32>
          tpu.vector_store_idx %arg16[%add3A_173, %get3A_151], %gather3A_168 masked %and3A : memref<8x4096xf32, #tpu.memory_space<vmem>>[vector<16xi32>, vector<16xi32>], vector<16xf32>, vector<16xi1>
          %broadcast_in_dim3A_174 = arith.constant 0 : i32
          %broadcast_in_dim3A_175 = vector.broadcast %broadcast_in_dim3A_174 : i32 to vector<16xi32>
          %add3A_176 = arith.constant 1 : i32
          %add3A_177 = vector.broadcast %add3A_176 : i32 to vector<16xi32>
          %add3A_178 = arith.addi %broadcast_in_dim3A_175, %add3A_177 : vector<16xi32>
          %gather3A_179 = tpu.vector_load_idx %arg14[%add3A_178, %min3A_162] masked %and3A : memref<8x1664xf32, #tpu.memory_space<vmem>>[vector<16xi32>, vector<16xi32>], vector<16xf32>, vector<16xi1>
          %broadcast_in_dim3A_180 = arith.constant 0 : i32
          %broadcast_in_dim3A_181 = vector.broadcast %broadcast_in_dim3A_180 : i32 to vector<16xi32>
          %add3A_182 = arith.constant 1 : i32
          %add3A_183 = vector.broadcast %add3A_182 : i32 to vector<16xi32>
          %add3A_184 = arith.addi %broadcast_in_dim3A_181, %add3A_183 : vector<16xi32>
          tpu.vector_store_idx %arg16[%add3A_184, %get3A_151], %gather3A_179 masked %and3A : memref<8x4096xf32, #tpu.memory_space<vmem>>[vector<16xi32>, vector<16xi32>], vector<16xf32>, vector<16xi1>
          %broadcast_in_dim3A_185 = arith.constant 0 : i32
          %broadcast_in_dim3A_186 = vector.broadcast %broadcast_in_dim3A_185 : i32 to vector<16xi32>
          %add3A_187 = arith.constant 2 : i32
          %add3A_188 = vector.broadcast %add3A_187 : i32 to vector<16xi32>
          %add3A_189 = arith.addi %broadcast_in_dim3A_186, %add3A_188 : vector<16xi32>
          %gather3A_190 = tpu.vector_load_idx %arg14[%add3A_189, %min3A_162] masked %and3A : memref<8x1664xf32, #tpu.memory_space<vmem>>[vector<16xi32>, vector<16xi32>], vector<16xf32>, vector<16xi1>
          %broadcast_in_dim3A_191 = arith.constant 0 : i32
          %broadcast_in_dim3A_192 = vector.broadcast %broadcast_in_dim3A_191 : i32 to vector<16xi32>
          %add3A_193 = arith.constant 2 : i32
          %add3A_194 = vector.broadcast %add3A_193 : i32 to vector<16xi32>
          %add3A_195 = arith.addi %broadcast_in_dim3A_192, %add3A_194 : vector<16xi32>
          tpu.vector_store_idx %arg16[%add3A_195, %get3A_151], %gather3A_190 masked %and3A : memref<8x4096xf32, #tpu.memory_space<vmem>>[vector<16xi32>, vector<16xi32>], vector<16xf32>, vector<16xi1>
          %broadcast_in_dim3A_196 = arith.constant 0 : i32
          %broadcast_in_dim3A_197 = vector.broadcast %broadcast_in_dim3A_196 : i32 to vector<16xi32>
          %add3A_198 = arith.constant 3 : i32
          %add3A_199 = vector.broadcast %add3A_198 : i32 to vector<16xi32>
          %add3A_200 = arith.addi %broadcast_in_dim3A_197, %add3A_199 : vector<16xi32>
          %gather3A_201 = tpu.vector_load_idx %arg14[%add3A_200, %min3A_162] masked %and3A : memref<8x1664xf32, #tpu.memory_space<vmem>>[vector<16xi32>, vector<16xi32>], vector<16xf32>, vector<16xi1>
          %broadcast_in_dim3A_202 = arith.constant 0 : i32
          %broadcast_in_dim3A_203 = vector.broadcast %broadcast_in_dim3A_202 : i32 to vector<16xi32>
          %add3A_204 = arith.constant 3 : i32
          %add3A_205 = vector.broadcast %add3A_204 : i32 to vector<16xi32>
          %add3A_206 = arith.addi %broadcast_in_dim3A_203, %add3A_205 : vector<16xi32>
          tpu.vector_store_idx %arg16[%add3A_206, %get3A_151], %gather3A_201 masked %and3A : memref<8x4096xf32, #tpu.memory_space<vmem>>[vector<16xi32>, vector<16xi32>], vector<16xf32>, vector<16xi1>
          %broadcast_in_dim3A_207 = arith.constant 0 : i32
          %broadcast_in_dim3A_208 = vector.broadcast %broadcast_in_dim3A_207 : i32 to vector<16xi32>
          %add3A_209 = arith.constant 4 : i32
          %add3A_210 = vector.broadcast %add3A_209 : i32 to vector<16xi32>
          %add3A_211 = arith.addi %broadcast_in_dim3A_208, %add3A_210 : vector<16xi32>
          %gather3A_212 = tpu.vector_load_idx %arg14[%add3A_211, %min3A_162] masked %and3A : memref<8x1664xf32, #tpu.memory_space<vmem>>[vector<16xi32>, vector<16xi32>], vector<16xf32>, vector<16xi1>
          %broadcast_in_dim3A_213 = arith.constant 0 : i32
          %broadcast_in_dim3A_214 = vector.broadcast %broadcast_in_dim3A_213 : i32 to vector<16xi32>
          %add3A_215 = arith.constant 4 : i32
          %add3A_216 = vector.broadcast %add3A_215 : i32 to vector<16xi32>
          %add3A_217 = arith.addi %broadcast_in_dim3A_214, %add3A_216 : vector<16xi32>
          tpu.vector_store_idx %arg16[%add3A_217, %get3A_151], %gather3A_212 masked %and3A : memref<8x4096xf32, #tpu.memory_space<vmem>>[vector<16xi32>, vector<16xi32>], vector<16xf32>, vector<16xi1>
          %broadcast_in_dim3A_218 = arith.constant 0 : i32
          %broadcast_in_dim3A_219 = vector.broadcast %broadcast_in_dim3A_218 : i32 to vector<16xi32>
          %add3A_220 = arith.constant 5 : i32
          %add3A_221 = vector.broadcast %add3A_220 : i32 to vector<16xi32>
          %add3A_222 = arith.addi %broadcast_in_dim3A_219, %add3A_221 : vector<16xi32>
          %gather3A_223 = tpu.vector_load_idx %arg14[%add3A_222, %min3A_162] masked %and3A : memref<8x1664xf32, #tpu.memory_space<vmem>>[vector<16xi32>, vector<16xi32>], vector<16xf32>, vector<16xi1>
          %broadcast_in_dim3A_224 = arith.constant 0 : i32
          %broadcast_in_dim3A_225 = vector.broadcast %broadcast_in_dim3A_224 : i32 to vector<16xi32>
          %add3A_226 = arith.constant 5 : i32
          %add3A_227 = vector.broadcast %add3A_226 : i32 to vector<16xi32>
          %add3A_228 = arith.addi %broadcast_in_dim3A_225, %add3A_227 : vector<16xi32>
          tpu.vector_store_idx %arg16[%add3A_228, %get3A_151], %gather3A_223 masked %and3A : memref<8x4096xf32, #tpu.memory_space<vmem>>[vector<16xi32>, vector<16xi32>], vector<16xf32>, vector<16xi1>
          %broadcast_in_dim3A_229 = arith.constant 0 : i32
          %broadcast_in_dim3A_230 = vector.broadcast %broadcast_in_dim3A_229 : i32 to vector<16xi32>
          %add3A_231 = arith.constant 6 : i32
          %add3A_232 = vector.broadcast %add3A_231 : i32 to vector<16xi32>
          %add3A_233 = arith.addi %broadcast_in_dim3A_230, %add3A_232 : vector<16xi32>
          %gather3A_234 = tpu.vector_load_idx %arg14[%add3A_233, %min3A_162] masked %and3A : memref<8x1664xf32, #tpu.memory_space<vmem>>[vector<16xi32>, vector<16xi32>], vector<16xf32>, vector<16xi1>
          %broadcast_in_dim3A_235 = arith.constant 0 : i32
          %broadcast_in_dim3A_236 = vector.broadcast %broadcast_in_dim3A_235 : i32 to vector<16xi32>
          %add3A_237 = arith.constant 6 : i32
          %add3A_238 = vector.broadcast %add3A_237 : i32 to vector<16xi32>
          %add3A_239 = arith.addi %broadcast_in_dim3A_236, %add3A_238 : vector<16xi32>
          tpu.vector_store_idx %arg16[%add3A_239, %get3A_151], %gather3A_234 masked %and3A : memref<8x4096xf32, #tpu.memory_space<vmem>>[vector<16xi32>, vector<16xi32>], vector<16xf32>, vector<16xi1>
          %broadcast_in_dim3A_240 = arith.constant 0 : i32
          %broadcast_in_dim3A_241 = vector.broadcast %broadcast_in_dim3A_240 : i32 to vector<16xi32>
          %add3A_242 = arith.constant 7 : i32
          %add3A_243 = vector.broadcast %add3A_242 : i32 to vector<16xi32>
          %add3A_244 = arith.addi %broadcast_in_dim3A_241, %add3A_243 : vector<16xi32>
          %gather3A_245 = tpu.vector_load_idx %arg14[%add3A_244, %min3A_162] masked %and3A : memref<8x1664xf32, #tpu.memory_space<vmem>>[vector<16xi32>, vector<16xi32>], vector<16xf32>, vector<16xi1>
          %broadcast_in_dim3A_246 = arith.constant 0 : i32
          %broadcast_in_dim3A_247 = vector.broadcast %broadcast_in_dim3A_246 : i32 to vector<16xi32>
          %add3A_248 = arith.constant 7 : i32
          %add3A_249 = vector.broadcast %add3A_248 : i32 to vector<16xi32>
          %add3A_250 = arith.addi %broadcast_in_dim3A_247, %add3A_249 : vector<16xi32>
          tpu.vector_store_idx %arg16[%add3A_250, %get3A_151], %gather3A_245 masked %and3A : memref<8x4096xf32, #tpu.memory_space<vmem>>[vector<16xi32>, vector<16xi32>], vector<16xf32>, vector<16xi1>
        }
        %while3A_97 = arith.constant 1 : i32
        scf.for %while3A_146 = %while3A_95 to %while3A_91 step %while3A_97  : i32 {
          %mul3A_147 = arith.constant 16 : i32
          %mul3A_148 = arith.muli %while3A_146, %mul3A_147 : i32
          %get3A = arith.index_cast %mul3A_148 : i32 to index
          %get3A_149 = tpu.vector_load %arg8[%get3A] {strides = array<i32>} : memref<4096xi32, #tpu.memory_space<vmem>>, vector<16xi32>,
          %get3A_150 = arith.index_cast %mul3A_148 : i32 to index
          %get3A_151 = tpu.vector_load %arg9[%get3A_150] {strides = array<i32>} : memref<4096xi32, #tpu.memory_space<vmem>>, vector<16xi32>,
          %ge3A = arith.constant 98304 : i32
          %ge3A_152 = vector.broadcast %ge3A : i32 to vector<16xi32>
          %ge3A_153 = arith.cmpi sge, %get3A_149, %ge3A_152 : vector<16xi32>
          %lt3A_154 = arith.constant 99968 : i32
          %lt3A_155 = vector.broadcast %lt3A_154 : i32 to vector<16xi32>
          %lt3A_156 = arith.cmpi slt, %get3A_149, %lt3A_155 : vector<16xi32>
          %and3A = arith.andi %ge3A_153, %lt3A_156 : vector<16xi1>
          %sub3A_157 = arith.constant 98304 : i32
          %sub3A_158 = vector.broadcast %sub3A_157 : i32 to vector<16xi32>
          %sub3A_159 = arith.subi %get3A_149, %sub3A_158 : vector<16xi32>
          %jit3A = arith.constant 0 : i32
          %jit3A_160 = arith.constant 1663 : i32
          %max3A = vector.broadcast %jit3A : i32 to vector<16xi32>
          %max3A_161 = arith.maxsi %max3A, %sub3A_159 : vector<16xi32>
          %min3A = vector.broadcast %jit3A_160 : i32 to vector<16xi32>
          %min3A_162 = arith.minsi %min3A, %max3A_161 : vector<16xi32>
          %broadcast_in_dim3A_163 = arith.constant 0 : i32
          %broadcast_in_dim3A_164 = vector.broadcast %broadcast_in_dim3A_163 : i32 to vector<16xi32>
          %add3A_165 = arith.constant 0 : i32
          %add3A_166 = vector.broadcast %add3A_165 : i32 to vector<16xi32>
          %add3A_167 = arith.addi %broadcast_in_dim3A_164, %add3A_166 : vector<16xi32>
          %gather3A_168 = tpu.vector_load_idx %arg14[%add3A_167, %min3A_162] masked %and3A : memref<8x1664xf32, #tpu.memory_space<vmem>>[vector<16xi32>, vector<16xi32>], vector<16xf32>, vector<16xi1>
          %broadcast_in_dim3A_169 = arith.constant 0 : i32
          %broadcast_in_dim3A_170 = vector.broadcast %broadcast_in_dim3A_169 : i32 to vector<16xi32>
          %add3A_171 = arith.constant 0 : i32
          %add3A_172 = vector.broadcast %add3A_171 : i32 to vector<16xi32>
          %add3A_173 = arith.addi %broadcast_in_dim3A_170, %add3A_172 : vector<16xi32>
          tpu.vector_store_idx %arg16[%add3A_173, %get3A_151], %gather3A_168 masked %and3A : memref<8x4096xf32, #tpu.memory_space<vmem>>[vector<16xi32>, vector<16xi32>], vector<16xf32>, vector<16xi1>
          %broadcast_in_dim3A_174 = arith.constant 0 : i32
          %broadcast_in_dim3A_175 = vector.broadcast %broadcast_in_dim3A_174 : i32 to vector<16xi32>
          %add3A_176 = arith.constant 1 : i32
          %add3A_177 = vector.broadcast %add3A_176 : i32 to vector<16xi32>
          %add3A_178 = arith.addi %broadcast_in_dim3A_175, %add3A_177 : vector<16xi32>
          %gather3A_179 = tpu.vector_load_idx %arg14[%add3A_178, %min3A_162] masked %and3A : memref<8x1664xf32, #tpu.memory_space<vmem>>[vector<16xi32>, vector<16xi32>], vector<16xf32>, vector<16xi1>
          %broadcast_in_dim3A_180 = arith.constant 0 : i32
          %broadcast_in_dim3A_181 = vector.broadcast %broadcast_in_dim3A_180 : i32 to vector<16xi32>
          %add3A_182 = arith.constant 1 : i32
          %add3A_183 = vector.broadcast %add3A_182 : i32 to vector<16xi32>
          %add3A_184 = arith.addi %broadcast_in_dim3A_181, %add3A_183 : vector<16xi32>
          tpu.vector_store_idx %arg16[%add3A_184, %get3A_151], %gather3A_179 masked %and3A : memref<8x4096xf32, #tpu.memory_space<vmem>>[vector<16xi32>, vector<16xi32>], vector<16xf32>, vector<16xi1>
          %broadcast_in_dim3A_185 = arith.constant 0 : i32
          %broadcast_in_dim3A_186 = vector.broadcast %broadcast_in_dim3A_185 : i32 to vector<16xi32>
          %add3A_187 = arith.constant 2 : i32
          %add3A_188 = vector.broadcast %add3A_187 : i32 to vector<16xi32>
          %add3A_189 = arith.addi %broadcast_in_dim3A_186, %add3A_188 : vector<16xi32>
          %gather3A_190 = tpu.vector_load_idx %arg14[%add3A_189, %min3A_162] masked %and3A : memref<8x1664xf32, #tpu.memory_space<vmem>>[vector<16xi32>, vector<16xi32>], vector<16xf32>, vector<16xi1>
          %broadcast_in_dim3A_191 = arith.constant 0 : i32
          %broadcast_in_dim3A_192 = vector.broadcast %broadcast_in_dim3A_191 : i32 to vector<16xi32>
          %add3A_193 = arith.constant 2 : i32
          %add3A_194 = vector.broadcast %add3A_193 : i32 to vector<16xi32>
          %add3A_195 = arith.addi %broadcast_in_dim3A_192, %add3A_194 : vector<16xi32>
          tpu.vector_store_idx %arg16[%add3A_195, %get3A_151], %gather3A_190 masked %and3A : memref<8x4096xf32, #tpu.memory_space<vmem>>[vector<16xi32>, vector<16xi32>], vector<16xf32>, vector<16xi1>
          %broadcast_in_dim3A_196 = arith.constant 0 : i32
          %broadcast_in_dim3A_197 = vector.broadcast %broadcast_in_dim3A_196 : i32 to vector<16xi32>
          %add3A_198 = arith.constant 3 : i32
          %add3A_199 = vector.broadcast %add3A_198 : i32 to vector<16xi32>
          %add3A_200 = arith.addi %broadcast_in_dim3A_197, %add3A_199 : vector<16xi32>
          %gather3A_201 = tpu.vector_load_idx %arg14[%add3A_200, %min3A_162] masked %and3A : memref<8x1664xf32, #tpu.memory_space<vmem>>[vector<16xi32>, vector<16xi32>], vector<16xf32>, vector<16xi1>
          %broadcast_in_dim3A_202 = arith.constant 0 : i32
          %broadcast_in_dim3A_203 = vector.broadcast %broadcast_in_dim3A_202 : i32 to vector<16xi32>
          %add3A_204 = arith.constant 3 : i32
          %add3A_205 = vector.broadcast %add3A_204 : i32 to vector<16xi32>
          %add3A_206 = arith.addi %broadcast_in_dim3A_203, %add3A_205 : vector<16xi32>
          tpu.vector_store_idx %arg16[%add3A_206, %get3A_151], %gather3A_201 masked %and3A : memref<8x4096xf32, #tpu.memory_space<vmem>>[vector<16xi32>, vector<16xi32>], vector<16xf32>, vector<16xi1>
          %broadcast_in_dim3A_207 = arith.constant 0 : i32
          %broadcast_in_dim3A_208 = vector.broadcast %broadcast_in_dim3A_207 : i32 to vector<16xi32>
          %add3A_209 = arith.constant 4 : i32
          %add3A_210 = vector.broadcast %add3A_209 : i32 to vector<16xi32>
          %add3A_211 = arith.addi %broadcast_in_dim3A_208, %add3A_210 : vector<16xi32>
          %gather3A_212 = tpu.vector_load_idx %arg14[%add3A_211, %min3A_162] masked %and3A : memref<8x1664xf32, #tpu.memory_space<vmem>>[vector<16xi32>, vector<16xi32>], vector<16xf32>, vector<16xi1>
          %broadcast_in_dim3A_213 = arith.constant 0 : i32
          %broadcast_in_dim3A_214 = vector.broadcast %broadcast_in_dim3A_213 : i32 to vector<16xi32>
          %add3A_215 = arith.constant 4 : i32
          %add3A_216 = vector.broadcast %add3A_215 : i32 to vector<16xi32>
          %add3A_217 = arith.addi %broadcast_in_dim3A_214, %add3A_216 : vector<16xi32>
          tpu.vector_store_idx %arg16[%add3A_217, %get3A_151], %gather3A_212 masked %and3A : memref<8x4096xf32, #tpu.memory_space<vmem>>[vector<16xi32>, vector<16xi32>], vector<16xf32>, vector<16xi1>
          %broadcast_in_dim3A_218 = arith.constant 0 : i32
          %broadcast_in_dim3A_219 = vector.broadcast %broadcast_in_dim3A_218 : i32 to vector<16xi32>
          %add3A_220 = arith.constant 5 : i32
          %add3A_221 = vector.broadcast %add3A_220 : i32 to vector<16xi32>
          %add3A_222 = arith.addi %broadcast_in_dim3A_219, %add3A_221 : vector<16xi32>
          %gather3A_223 = tpu.vector_load_idx %arg14[%add3A_222, %min3A_162] masked %and3A : memref<8x1664xf32, #tpu.memory_space<vmem>>[vector<16xi32>, vector<16xi32>], vector<16xf32>, vector<16xi1>
          %broadcast_in_dim3A_224 = arith.constant 0 : i32
          %broadcast_in_dim3A_225 = vector.broadcast %broadcast_in_dim3A_224 : i32 to vector<16xi32>
          %add3A_226 = arith.constant 5 : i32
          %add3A_227 = vector.broadcast %add3A_226 : i32 to vector<16xi32>
          %add3A_228 = arith.addi %broadcast_in_dim3A_225, %add3A_227 : vector<16xi32>
          tpu.vector_store_idx %arg16[%add3A_228, %get3A_151], %gather3A_223 masked %and3A : memref<8x4096xf32, #tpu.memory_space<vmem>>[vector<16xi32>, vector<16xi32>], vector<16xf32>, vector<16xi1>
          %broadcast_in_dim3A_229 = arith.constant 0 : i32
          %broadcast_in_dim3A_230 = vector.broadcast %broadcast_in_dim3A_229 : i32 to vector<16xi32>
          %add3A_231 = arith.constant 6 : i32
          %add3A_232 = vector.broadcast %add3A_231 : i32 to vector<16xi32>
          %add3A_233 = arith.addi %broadcast_in_dim3A_230, %add3A_232 : vector<16xi32>
          %gather3A_234 = tpu.vector_load_idx %arg14[%add3A_233, %min3A_162] masked %and3A : memref<8x1664xf32, #tpu.memory_space<vmem>>[vector<16xi32>, vector<16xi32>], vector<16xf32>, vector<16xi1>
          %broadcast_in_dim3A_235 = arith.constant 0 : i32
          %broadcast_in_dim3A_236 = vector.broadcast %broadcast_in_dim3A_235 : i32 to vector<16xi32>
          %add3A_237 = arith.constant 6 : i32
          %add3A_238 = vector.broadcast %add3A_237 : i32 to vector<16xi32>
          %add3A_239 = arith.addi %broadcast_in_dim3A_236, %add3A_238 : vector<16xi32>
          tpu.vector_store_idx %arg16[%add3A_239, %get3A_151], %gather3A_234 masked %and3A : memref<8x4096xf32, #tpu.memory_space<vmem>>[vector<16xi32>, vector<16xi32>], vector<16xf32>, vector<16xi1>
          %broadcast_in_dim3A_240 = arith.constant 0 : i32
          %broadcast_in_dim3A_241 = vector.broadcast %broadcast_in_dim3A_240 : i32 to vector<16xi32>
          %add3A_242 = arith.constant 7 : i32
          %add3A_243 = vector.broadcast %add3A_242 : i32 to vector<16xi32>
          %add3A_244 = arith.addi %broadcast_in_dim3A_241, %add3A_243 : vector<16xi32>
          %gather3A_245 = tpu.vector_load_idx %arg14[%add3A_244, %min3A_162] masked %and3A : memref<8x1664xf32, #tpu.memory_space<vmem>>[vector<16xi32>, vector<16xi32>], vector<16xf32>, vector<16xi1>
          %broadcast_in_dim3A_246 = arith.constant 0 : i32
          %broadcast_in_dim3A_247 = vector.broadcast %broadcast_in_dim3A_246 : i32 to vector<16xi32>
          %add3A_248 = arith.constant 7 : i32
          %add3A_249 = vector.broadcast %add3A_248 : i32 to vector<16xi32>
          %add3A_250 = arith.addi %broadcast_in_dim3A_247, %add3A_249 : vector<16xi32>
          tpu.vector_store_idx %arg16[%add3A_250, %get3A_151], %gather3A_245 masked %and3A : memref<8x4096xf32, #tpu.memory_space<vmem>>[vector<16xi32>, vector<16xi32>], vector<16xf32>, vector<16xi1>
        }
        %dma_wait3A_98 = arith.constant 0 : i32
        %dma_wait3A_99 = tpu.memref_slice %arg3[%add3A_18, %dma_wait3A_98] : memref<832x128xf32, #tpu.memory_space<hbm>> -> memref<8x128xf32, #tpu.memory_space<hbm>>
        %dma_wait3A_100 = arith.constant 0 : i32
        %dma_wait3A_101 = tpu.memref_slice %arg3[%add3A_18, %dma_wait3A_100] : memref<832x128xf32, #tpu.memory_space<hbm>> -> memref<8x128xf32, #tpu.memory_space<hbm>>
        tpu.wait_dma2 semaphore(%arg18 : memref<!tpu.dma_semaphore, #tpu.memory_space<semaphore_mem>>) src(%dma_wait3A_101 : memref<8x128xf32, #tpu.memory_space<hbm>>) dst(%arg15 : memref<8x128xf32, #tpu.memory_space<vmem>>)
        %broadcast_in_dim3A_102 = arith.constant 0 : i32
        %broadcast_in_dim3A_103 = vector.broadcast %broadcast_in_dim3A_102 : i32 to vector<16xi32>
        %add3A_104 = arith.constant 49 : i32
        %add3A_105 = vector.broadcast %add3A_104 : i32 to vector<16xi32>
        %add3A_106 = arith.addi %broadcast_in_dim3A_103, %add3A_105 : vector<16xi32>
        %add3A_107 = arith.addi %add3A_106, %iota3A : vector<16xi32>
        %gather3A_108 = tpu.vector_load_idx %arg10[%add3A_107] : memref<80xi32, #tpu.memory_space<vmem>>[vector<16xi32>], vector<16xi32>,
        %slice3A_109 = vector.extract_strided_slice %gather3A_108 {offsets = [0], sizes = [1], strides = [1]} : vector<16xi32> to vector<1xi32>
        %squeeze3A_110 = vector.extract %slice3A_109[0] : i32 from vector<1xi32>
        %slice3A_111 = vector.extract_strided_slice %gather3A_108 {offsets = [1], sizes = [1], strides = [1]} : vector<16xi32> to vector<1xi32>
        %squeeze3A_112 = vector.extract %slice3A_111[0] : i32 from vector<1xi32>
        %div3A_113 = arith.constant 16 : i32
        %div3A_114 = arith.divsi %squeeze3A_110, %div3A_113 : i32
        %add3A_115 = arith.constant 16 : i32
        %add3A_116 = arith.addi %squeeze3A_112, %add3A_115 : i32
        %sub3A_117 = arith.constant 1 : i32
        %sub3A_118 = arith.subi %add3A_116, %sub3A_117 : i32
        %div3A_119 = arith.constant 16 : i32
        %div3A_120 = arith.divsi %sub3A_118, %div3A_119 : i32
        %while3A_121 = arith.constant 0 : i32
        %while3A_122 = arith.subi %div3A_120, %div3A_114 : i32
        %while3A_123 = arith.addi %div3A_114, %while3A_122 : i32
        %while3A_124 = arith.constant 1 : i32
        %while3A_125 = arith.divsi %while3A_122, %while3A_124 : i32
        %while3A_126 = arith.muli %while3A_125, %while3A_124 : i32
        %while3A_127 = arith.addi %div3A_114, %while3A_126 : i32
        %while3A_128 = arith.constant 1 : i32
        scf.for %while3A_146 = %div3A_114 to %while3A_127 step %while3A_128  : i32 {
          %mul3A_147 = arith.constant 16 : i32
          %mul3A_148 = arith.muli %while3A_146, %mul3A_147 : i32
          %get3A = arith.index_cast %mul3A_148 : i32 to index
          %get3A_149 = tpu.vector_load %arg8[%get3A] {strides = array<i32>} : memref<4096xi32, #tpu.memory_space<vmem>>, vector<16xi32>,
          %get3A_150 = arith.index_cast %mul3A_148 : i32 to index
          %get3A_151 = tpu.vector_load %arg9[%get3A_150] {strides = array<i32>} : memref<4096xi32, #tpu.memory_space<vmem>>, vector<16xi32>,
          %ge3A = arith.constant 99968 : i32
          %ge3A_152 = vector.broadcast %ge3A : i32 to vector<16xi32>
          %ge3A_153 = arith.cmpi sge, %get3A_149, %ge3A_152 : vector<16xi32>
          %lt3A_154 = arith.constant 100000 : i32
          %lt3A_155 = vector.broadcast %lt3A_154 : i32 to vector<16xi32>
          %lt3A_156 = arith.cmpi slt, %get3A_149, %lt3A_155 : vector<16xi32>
          %and3A = arith.andi %ge3A_153, %lt3A_156 : vector<16xi1>
          %sub3A_157 = arith.constant 99968 : i32
          %sub3A_158 = vector.broadcast %sub3A_157 : i32 to vector<16xi32>
          %sub3A_159 = arith.subi %get3A_149, %sub3A_158 : vector<16xi32>
          %jit3A = arith.constant 0 : i32
          %jit3A_160 = arith.constant 31 : i32
          %max3A = vector.broadcast %jit3A : i32 to vector<16xi32>
          %max3A_161 = arith.maxsi %max3A, %sub3A_159 : vector<16xi32>
          %min3A = vector.broadcast %jit3A_160 : i32 to vector<16xi32>
          %min3A_162 = arith.minsi %min3A, %max3A_161 : vector<16xi32>
          %broadcast_in_dim3A_163 = arith.constant 0 : i32
          %broadcast_in_dim3A_164 = vector.broadcast %broadcast_in_dim3A_163 : i32 to vector<16xi32>
          %add3A_165 = arith.constant 0 : i32
          %add3A_166 = vector.broadcast %add3A_165 : i32 to vector<16xi32>
          %add3A_167 = arith.addi %broadcast_in_dim3A_164, %add3A_166 : vector<16xi32>
          %gather3A_168 = tpu.vector_load_idx %arg15[%add3A_167, %min3A_162] masked %and3A : memref<8x128xf32, #tpu.memory_space<vmem>>[vector<16xi32>, vector<16xi32>], vector<16xf32>, vector<16xi1>
          %broadcast_in_dim3A_169 = arith.constant 0 : i32
          %broadcast_in_dim3A_170 = vector.broadcast %broadcast_in_dim3A_169 : i32 to vector<16xi32>
          %add3A_171 = arith.constant 0 : i32
          %add3A_172 = vector.broadcast %add3A_171 : i32 to vector<16xi32>
          %add3A_173 = arith.addi %broadcast_in_dim3A_170, %add3A_172 : vector<16xi32>
          tpu.vector_store_idx %arg16[%add3A_173, %get3A_151], %gather3A_168 masked %and3A : memref<8x4096xf32, #tpu.memory_space<vmem>>[vector<16xi32>, vector<16xi32>], vector<16xf32>, vector<16xi1>
          %broadcast_in_dim3A_174 = arith.constant 0 : i32
          %broadcast_in_dim3A_175 = vector.broadcast %broadcast_in_dim3A_174 : i32 to vector<16xi32>
          %add3A_176 = arith.constant 1 : i32
          %add3A_177 = vector.broadcast %add3A_176 : i32 to vector<16xi32>
          %add3A_178 = arith.addi %broadcast_in_dim3A_175, %add3A_177 : vector<16xi32>
          %gather3A_179 = tpu.vector_load_idx %arg15[%add3A_178, %min3A_162] masked %and3A : memref<8x128xf32, #tpu.memory_space<vmem>>[vector<16xi32>, vector<16xi32>], vector<16xf32>, vector<16xi1>
          %broadcast_in_dim3A_180 = arith.constant 0 : i32
          %broadcast_in_dim3A_181 = vector.broadcast %broadcast_in_dim3A_180 : i32 to vector<16xi32>
          %add3A_182 = arith.constant 1 : i32
          %add3A_183 = vector.broadcast %add3A_182 : i32 to vector<16xi32>
          %add3A_184 = arith.addi %broadcast_in_dim3A_181, %add3A_183 : vector<16xi32>
          tpu.vector_store_idx %arg16[%add3A_184, %get3A_151], %gather3A_179 masked %and3A : memref<8x4096xf32, #tpu.memory_space<vmem>>[vector<16xi32>, vector<16xi32>], vector<16xf32>, vector<16xi1>
          %broadcast_in_dim3A_185 = arith.constant 0 : i32
          %broadcast_in_dim3A_186 = vector.broadcast %broadcast_in_dim3A_185 : i32 to vector<16xi32>
          %add3A_187 = arith.constant 2 : i32
          %add3A_188 = vector.broadcast %add3A_187 : i32 to vector<16xi32>
          %add3A_189 = arith.addi %broadcast_in_dim3A_186, %add3A_188 : vector<16xi32>
          %gather3A_190 = tpu.vector_load_idx %arg15[%add3A_189, %min3A_162] masked %and3A : memref<8x128xf32, #tpu.memory_space<vmem>>[vector<16xi32>, vector<16xi32>], vector<16xf32>, vector<16xi1>
          %broadcast_in_dim3A_191 = arith.constant 0 : i32
          %broadcast_in_dim3A_192 = vector.broadcast %broadcast_in_dim3A_191 : i32 to vector<16xi32>
          %add3A_193 = arith.constant 2 : i32
          %add3A_194 = vector.broadcast %add3A_193 : i32 to vector<16xi32>
          %add3A_195 = arith.addi %broadcast_in_dim3A_192, %add3A_194 : vector<16xi32>
          tpu.vector_store_idx %arg16[%add3A_195, %get3A_151], %gather3A_190 masked %and3A : memref<8x4096xf32, #tpu.memory_space<vmem>>[vector<16xi32>, vector<16xi32>], vector<16xf32>, vector<16xi1>
          %broadcast_in_dim3A_196 = arith.constant 0 : i32
          %broadcast_in_dim3A_197 = vector.broadcast %broadcast_in_dim3A_196 : i32 to vector<16xi32>
          %add3A_198 = arith.constant 3 : i32
          %add3A_199 = vector.broadcast %add3A_198 : i32 to vector<16xi32>
          %add3A_200 = arith.addi %broadcast_in_dim3A_197, %add3A_199 : vector<16xi32>
          %gather3A_201 = tpu.vector_load_idx %arg15[%add3A_200, %min3A_162] masked %and3A : memref<8x128xf32, #tpu.memory_space<vmem>>[vector<16xi32>, vector<16xi32>], vector<16xf32>, vector<16xi1>
          %broadcast_in_dim3A_202 = arith.constant 0 : i32
          %broadcast_in_dim3A_203 = vector.broadcast %broadcast_in_dim3A_202 : i32 to vector<16xi32>
          %add3A_204 = arith.constant 3 : i32
          %add3A_205 = vector.broadcast %add3A_204 : i32 to vector<16xi32>
          %add3A_206 = arith.addi %broadcast_in_dim3A_203, %add3A_205 : vector<16xi32>
          tpu.vector_store_idx %arg16[%add3A_206, %get3A_151], %gather3A_201 masked %and3A : memref<8x4096xf32, #tpu.memory_space<vmem>>[vector<16xi32>, vector<16xi32>], vector<16xf32>, vector<16xi1>
          %broadcast_in_dim3A_207 = arith.constant 0 : i32
          %broadcast_in_dim3A_208 = vector.broadcast %broadcast_in_dim3A_207 : i32 to vector<16xi32>
          %add3A_209 = arith.constant 4 : i32
          %add3A_210 = vector.broadcast %add3A_209 : i32 to vector<16xi32>
          %add3A_211 = arith.addi %broadcast_in_dim3A_208, %add3A_210 : vector<16xi32>
          %gather3A_212 = tpu.vector_load_idx %arg15[%add3A_211, %min3A_162] masked %and3A : memref<8x128xf32, #tpu.memory_space<vmem>>[vector<16xi32>, vector<16xi32>], vector<16xf32>, vector<16xi1>
          %broadcast_in_dim3A_213 = arith.constant 0 : i32
          %broadcast_in_dim3A_214 = vector.broadcast %broadcast_in_dim3A_213 : i32 to vector<16xi32>
          %add3A_215 = arith.constant 4 : i32
          %add3A_216 = vector.broadcast %add3A_215 : i32 to vector<16xi32>
          %add3A_217 = arith.addi %broadcast_in_dim3A_214, %add3A_216 : vector<16xi32>
          tpu.vector_store_idx %arg16[%add3A_217, %get3A_151], %gather3A_212 masked %and3A : memref<8x4096xf32, #tpu.memory_space<vmem>>[vector<16xi32>, vector<16xi32>], vector<16xf32>, vector<16xi1>
          %broadcast_in_dim3A_218 = arith.constant 0 : i32
          %broadcast_in_dim3A_219 = vector.broadcast %broadcast_in_dim3A_218 : i32 to vector<16xi32>
          %add3A_220 = arith.constant 5 : i32
          %add3A_221 = vector.broadcast %add3A_220 : i32 to vector<16xi32>
          %add3A_222 = arith.addi %broadcast_in_dim3A_219, %add3A_221 : vector<16xi32>
          %gather3A_223 = tpu.vector_load_idx %arg15[%add3A_222, %min3A_162] masked %and3A : memref<8x128xf32, #tpu.memory_space<vmem>>[vector<16xi32>, vector<16xi32>], vector<16xf32>, vector<16xi1>
          %broadcast_in_dim3A_224 = arith.constant 0 : i32
          %broadcast_in_dim3A_225 = vector.broadcast %broadcast_in_dim3A_224 : i32 to vector<16xi32>
          %add3A_226 = arith.constant 5 : i32
          %add3A_227 = vector.broadcast %add3A_226 : i32 to vector<16xi32>
          %add3A_228 = arith.addi %broadcast_in_dim3A_225, %add3A_227 : vector<16xi32>
          tpu.vector_store_idx %arg16[%add3A_228, %get3A_151], %gather3A_223 masked %and3A : memref<8x4096xf32, #tpu.memory_space<vmem>>[vector<16xi32>, vector<16xi32>], vector<16xf32>, vector<16xi1>
          %broadcast_in_dim3A_229 = arith.constant 0 : i32
          %broadcast_in_dim3A_230 = vector.broadcast %broadcast_in_dim3A_229 : i32 to vector<16xi32>
          %add3A_231 = arith.constant 6 : i32
          %add3A_232 = vector.broadcast %add3A_231 : i32 to vector<16xi32>
          %add3A_233 = arith.addi %broadcast_in_dim3A_230, %add3A_232 : vector<16xi32>
          %gather3A_234 = tpu.vector_load_idx %arg15[%add3A_233, %min3A_162] masked %and3A : memref<8x128xf32, #tpu.memory_space<vmem>>[vector<16xi32>, vector<16xi32>], vector<16xf32>, vector<16xi1>
          %broadcast_in_dim3A_235 = arith.constant 0 : i32
          %broadcast_in_dim3A_236 = vector.broadcast %broadcast_in_dim3A_235 : i32 to vector<16xi32>
          %add3A_237 = arith.constant 6 : i32
          %add3A_238 = vector.broadcast %add3A_237 : i32 to vector<16xi32>
          %add3A_239 = arith.addi %broadcast_in_dim3A_236, %add3A_238 : vector<16xi32>
          tpu.vector_store_idx %arg16[%add3A_239, %get3A_151], %gather3A_234 masked %and3A : memref<8x4096xf32, #tpu.memory_space<vmem>>[vector<16xi32>, vector<16xi32>], vector<16xf32>, vector<16xi1>
          %broadcast_in_dim3A_240 = arith.constant 0 : i32
          %broadcast_in_dim3A_241 = vector.broadcast %broadcast_in_dim3A_240 : i32 to vector<16xi32>
          %add3A_242 = arith.constant 7 : i32
          %add3A_243 = vector.broadcast %add3A_242 : i32 to vector<16xi32>
          %add3A_244 = arith.addi %broadcast_in_dim3A_241, %add3A_243 : vector<16xi32>
          %gather3A_245 = tpu.vector_load_idx %arg15[%add3A_244, %min3A_162] masked %and3A : memref<8x128xf32, #tpu.memory_space<vmem>>[vector<16xi32>, vector<16xi32>], vector<16xf32>, vector<16xi1>
          %broadcast_in_dim3A_246 = arith.constant 0 : i32
          %broadcast_in_dim3A_247 = vector.broadcast %broadcast_in_dim3A_246 : i32 to vector<16xi32>
          %add3A_248 = arith.constant 7 : i32
          %add3A_249 = vector.broadcast %add3A_248 : i32 to vector<16xi32>
          %add3A_250 = arith.addi %broadcast_in_dim3A_247, %add3A_249 : vector<16xi32>
          tpu.vector_store_idx %arg16[%add3A_250, %get3A_151], %gather3A_245 masked %and3A : memref<8x4096xf32, #tpu.memory_space<vmem>>[vector<16xi32>, vector<16xi32>], vector<16xf32>, vector<16xi1>
        }
        %while3A_129 = arith.constant 1 : i32
        scf.for %while3A_146 = %while3A_127 to %while3A_123 step %while3A_129  : i32 {
          %mul3A_147 = arith.constant 16 : i32
          %mul3A_148 = arith.muli %while3A_146, %mul3A_147 : i32
          %get3A = arith.index_cast %mul3A_148 : i32 to index
          %get3A_149 = tpu.vector_load %arg8[%get3A] {strides = array<i32>} : memref<4096xi32, #tpu.memory_space<vmem>>, vector<16xi32>,
          %get3A_150 = arith.index_cast %mul3A_148 : i32 to index
          %get3A_151 = tpu.vector_load %arg9[%get3A_150] {strides = array<i32>} : memref<4096xi32, #tpu.memory_space<vmem>>, vector<16xi32>,
          %ge3A = arith.constant 99968 : i32
          %ge3A_152 = vector.broadcast %ge3A : i32 to vector<16xi32>
          %ge3A_153 = arith.cmpi sge, %get3A_149, %ge3A_152 : vector<16xi32>
          %lt3A_154 = arith.constant 100000 : i32
          %lt3A_155 = vector.broadcast %lt3A_154 : i32 to vector<16xi32>
          %lt3A_156 = arith.cmpi slt, %get3A_149, %lt3A_155 : vector<16xi32>
          %and3A = arith.andi %ge3A_153, %lt3A_156 : vector<16xi1>
          %sub3A_157 = arith.constant 99968 : i32
          %sub3A_158 = vector.broadcast %sub3A_157 : i32 to vector<16xi32>
          %sub3A_159 = arith.subi %get3A_149, %sub3A_158 : vector<16xi32>
          %jit3A = arith.constant 0 : i32
          %jit3A_160 = arith.constant 31 : i32
          %max3A = vector.broadcast %jit3A : i32 to vector<16xi32>
          %max3A_161 = arith.maxsi %max3A, %sub3A_159 : vector<16xi32>
          %min3A = vector.broadcast %jit3A_160 : i32 to vector<16xi32>
          %min3A_162 = arith.minsi %min3A, %max3A_161 : vector<16xi32>
          %broadcast_in_dim3A_163 = arith.constant 0 : i32
          %broadcast_in_dim3A_164 = vector.broadcast %broadcast_in_dim3A_163 : i32 to vector<16xi32>
          %add3A_165 = arith.constant 0 : i32
          %add3A_166 = vector.broadcast %add3A_165 : i32 to vector<16xi32>
          %add3A_167 = arith.addi %broadcast_in_dim3A_164, %add3A_166 : vector<16xi32>
          %gather3A_168 = tpu.vector_load_idx %arg15[%add3A_167, %min3A_162] masked %and3A : memref<8x128xf32, #tpu.memory_space<vmem>>[vector<16xi32>, vector<16xi32>], vector<16xf32>, vector<16xi1>
          %broadcast_in_dim3A_169 = arith.constant 0 : i32
          %broadcast_in_dim3A_170 = vector.broadcast %broadcast_in_dim3A_169 : i32 to vector<16xi32>
          %add3A_171 = arith.constant 0 : i32
          %add3A_172 = vector.broadcast %add3A_171 : i32 to vector<16xi32>
          %add3A_173 = arith.addi %broadcast_in_dim3A_170, %add3A_172 : vector<16xi32>
          tpu.vector_store_idx %arg16[%add3A_173, %get3A_151], %gather3A_168 masked %and3A : memref<8x4096xf32, #tpu.memory_space<vmem>>[vector<16xi32>, vector<16xi32>], vector<16xf32>, vector<16xi1>
          %broadcast_in_dim3A_174 = arith.constant 0 : i32
          %broadcast_in_dim3A_175 = vector.broadcast %broadcast_in_dim3A_174 : i32 to vector<16xi32>
          %add3A_176 = arith.constant 1 : i32
          %add3A_177 = vector.broadcast %add3A_176 : i32 to vector<16xi32>
          %add3A_178 = arith.addi %broadcast_in_dim3A_175, %add3A_177 : vector<16xi32>
          %gather3A_179 = tpu.vector_load_idx %arg15[%add3A_178, %min3A_162] masked %and3A : memref<8x128xf32, #tpu.memory_space<vmem>>[vector<16xi32>, vector<16xi32>], vector<16xf32>, vector<16xi1>
          %broadcast_in_dim3A_180 = arith.constant 0 : i32
          %broadcast_in_dim3A_181 = vector.broadcast %broadcast_in_dim3A_180 : i32 to vector<16xi32>
          %add3A_182 = arith.constant 1 : i32
          %add3A_183 = vector.broadcast %add3A_182 : i32 to vector<16xi32>
          %add3A_184 = arith.addi %broadcast_in_dim3A_181, %add3A_183 : vector<16xi32>
          tpu.vector_store_idx %arg16[%add3A_184, %get3A_151], %gather3A_179 masked %and3A : memref<8x4096xf32, #tpu.memory_space<vmem>>[vector<16xi32>, vector<16xi32>], vector<16xf32>, vector<16xi1>
          %broadcast_in_dim3A_185 = arith.constant 0 : i32
          %broadcast_in_dim3A_186 = vector.broadcast %broadcast_in_dim3A_185 : i32 to vector<16xi32>
          %add3A_187 = arith.constant 2 : i32
          %add3A_188 = vector.broadcast %add3A_187 : i32 to vector<16xi32>
          %add3A_189 = arith.addi %broadcast_in_dim3A_186, %add3A_188 : vector<16xi32>
          %gather3A_190 = tpu.vector_load_idx %arg15[%add3A_189, %min3A_162] masked %and3A : memref<8x128xf32, #tpu.memory_space<vmem>>[vector<16xi32>, vector<16xi32>], vector<16xf32>, vector<16xi1>
          %broadcast_in_dim3A_191 = arith.constant 0 : i32
          %broadcast_in_dim3A_192 = vector.broadcast %broadcast_in_dim3A_191 : i32 to vector<16xi32>
          %add3A_193 = arith.constant 2 : i32
          %add3A_194 = vector.broadcast %add3A_193 : i32 to vector<16xi32>
          %add3A_195 = arith.addi %broadcast_in_dim3A_192, %add3A_194 : vector<16xi32>
          tpu.vector_store_idx %arg16[%add3A_195, %get3A_151], %gather3A_190 masked %and3A : memref<8x4096xf32, #tpu.memory_space<vmem>>[vector<16xi32>, vector<16xi32>], vector<16xf32>, vector<16xi1>
          %broadcast_in_dim3A_196 = arith.constant 0 : i32
          %broadcast_in_dim3A_197 = vector.broadcast %broadcast_in_dim3A_196 : i32 to vector<16xi32>
          %add3A_198 = arith.constant 3 : i32
          %add3A_199 = vector.broadcast %add3A_198 : i32 to vector<16xi32>
          %add3A_200 = arith.addi %broadcast_in_dim3A_197, %add3A_199 : vector<16xi32>
          %gather3A_201 = tpu.vector_load_idx %arg15[%add3A_200, %min3A_162] masked %and3A : memref<8x128xf32, #tpu.memory_space<vmem>>[vector<16xi32>, vector<16xi32>], vector<16xf32>, vector<16xi1>
          %broadcast_in_dim3A_202 = arith.constant 0 : i32
          %broadcast_in_dim3A_203 = vector.broadcast %broadcast_in_dim3A_202 : i32 to vector<16xi32>
          %add3A_204 = arith.constant 3 : i32
          %add3A_205 = vector.broadcast %add3A_204 : i32 to vector<16xi32>
          %add3A_206 = arith.addi %broadcast_in_dim3A_203, %add3A_205 : vector<16xi32>
          tpu.vector_store_idx %arg16[%add3A_206, %get3A_151], %gather3A_201 masked %and3A : memref<8x4096xf32, #tpu.memory_space<vmem>>[vector<16xi32>, vector<16xi32>], vector<16xf32>, vector<16xi1>
          %broadcast_in_dim3A_207 = arith.constant 0 : i32
          %broadcast_in_dim3A_208 = vector.broadcast %broadcast_in_dim3A_207 : i32 to vector<16xi32>
          %add3A_209 = arith.constant 4 : i32
          %add3A_210 = vector.broadcast %add3A_209 : i32 to vector<16xi32>
          %add3A_211 = arith.addi %broadcast_in_dim3A_208, %add3A_210 : vector<16xi32>
          %gather3A_212 = tpu.vector_load_idx %arg15[%add3A_211, %min3A_162] masked %and3A : memref<8x128xf32, #tpu.memory_space<vmem>>[vector<16xi32>, vector<16xi32>], vector<16xf32>, vector<16xi1>
          %broadcast_in_dim3A_213 = arith.constant 0 : i32
          %broadcast_in_dim3A_214 = vector.broadcast %broadcast_in_dim3A_213 : i32 to vector<16xi32>
          %add3A_215 = arith.constant 4 : i32
          %add3A_216 = vector.broadcast %add3A_215 : i32 to vector<16xi32>
          %add3A_217 = arith.addi %broadcast_in_dim3A_214, %add3A_216 : vector<16xi32>
          tpu.vector_store_idx %arg16[%add3A_217, %get3A_151], %gather3A_212 masked %and3A : memref<8x4096xf32, #tpu.memory_space<vmem>>[vector<16xi32>, vector<16xi32>], vector<16xf32>, vector<16xi1>
          %broadcast_in_dim3A_218 = arith.constant 0 : i32
          %broadcast_in_dim3A_219 = vector.broadcast %broadcast_in_dim3A_218 : i32 to vector<16xi32>
          %add3A_220 = arith.constant 5 : i32
          %add3A_221 = vector.broadcast %add3A_220 : i32 to vector<16xi32>
          %add3A_222 = arith.addi %broadcast_in_dim3A_219, %add3A_221 : vector<16xi32>
          %gather3A_223 = tpu.vector_load_idx %arg15[%add3A_222, %min3A_162] masked %and3A : memref<8x128xf32, #tpu.memory_space<vmem>>[vector<16xi32>, vector<16xi32>], vector<16xf32>, vector<16xi1>
          %broadcast_in_dim3A_224 = arith.constant 0 : i32
          %broadcast_in_dim3A_225 = vector.broadcast %broadcast_in_dim3A_224 : i32 to vector<16xi32>
          %add3A_226 = arith.constant 5 : i32
          %add3A_227 = vector.broadcast %add3A_226 : i32 to vector<16xi32>
          %add3A_228 = arith.addi %broadcast_in_dim3A_225, %add3A_227 : vector<16xi32>
          tpu.vector_store_idx %arg16[%add3A_228, %get3A_151], %gather3A_223 masked %and3A : memref<8x4096xf32, #tpu.memory_space<vmem>>[vector<16xi32>, vector<16xi32>], vector<16xf32>, vector<16xi1>
          %broadcast_in_dim3A_229 = arith.constant 0 : i32
          %broadcast_in_dim3A_230 = vector.broadcast %broadcast_in_dim3A_229 : i32 to vector<16xi32>
          %add3A_231 = arith.constant 6 : i32
          %add3A_232 = vector.broadcast %add3A_231 : i32 to vector<16xi32>
          %add3A_233 = arith.addi %broadcast_in_dim3A_230, %add3A_232 : vector<16xi32>
          %gather3A_234 = tpu.vector_load_idx %arg15[%add3A_233, %min3A_162] masked %and3A : memref<8x128xf32, #tpu.memory_space<vmem>>[vector<16xi32>, vector<16xi32>], vector<16xf32>, vector<16xi1>
          %broadcast_in_dim3A_235 = arith.constant 0 : i32
          %broadcast_in_dim3A_236 = vector.broadcast %broadcast_in_dim3A_235 : i32 to vector<16xi32>
          %add3A_237 = arith.constant 6 : i32
          %add3A_238 = vector.broadcast %add3A_237 : i32 to vector<16xi32>
          %add3A_239 = arith.addi %broadcast_in_dim3A_236, %add3A_238 : vector<16xi32>
          tpu.vector_store_idx %arg16[%add3A_239, %get3A_151], %gather3A_234 masked %and3A : memref<8x4096xf32, #tpu.memory_space<vmem>>[vector<16xi32>, vector<16xi32>], vector<16xf32>, vector<16xi1>
          %broadcast_in_dim3A_240 = arith.constant 0 : i32
          %broadcast_in_dim3A_241 = vector.broadcast %broadcast_in_dim3A_240 : i32 to vector<16xi32>
          %add3A_242 = arith.constant 7 : i32
          %add3A_243 = vector.broadcast %add3A_242 : i32 to vector<16xi32>
          %add3A_244 = arith.addi %broadcast_in_dim3A_241, %add3A_243 : vector<16xi32>
          %gather3A_245 = tpu.vector_load_idx %arg15[%add3A_244, %min3A_162] masked %and3A : memref<8x128xf32, #tpu.memory_space<vmem>>[vector<16xi32>, vector<16xi32>], vector<16xf32>, vector<16xi1>
          %broadcast_in_dim3A_246 = arith.constant 0 : i32
          %broadcast_in_dim3A_247 = vector.broadcast %broadcast_in_dim3A_246 : i32 to vector<16xi32>
          %add3A_248 = arith.constant 7 : i32
          %add3A_249 = vector.broadcast %add3A_248 : i32 to vector<16xi32>
          %add3A_250 = arith.addi %broadcast_in_dim3A_247, %add3A_249 : vector<16xi32>
          tpu.vector_store_idx %arg16[%add3A_250, %get3A_151], %gather3A_245 masked %and3A : memref<8x4096xf32, #tpu.memory_space<vmem>>[vector<16xi32>, vector<16xi32>], vector<16xf32>, vector<16xi1>
        }
        %mul3A_130 = arith.constant 8 : i32
        %mul3A_131 = arith.muli %rem3A_13, %mul3A_130 : i32
        %dma_start3A_132 = arith.constant 0 : i32
        %dma_start3A_133 = tpu.memref_slice %arg5[%div3A_12, %mul3A_131, %dma_start3A_132] : memref<26x32x4096xf32, #tpu.memory_space<hbm>> -> memref<1x8x4096xf32, #tpu.memory_space<hbm>>
        %dma_start3A_134 = tpu.memref_squeeze %dma_start3A_133 : memref<1x8x4096xf32, #tpu.memory_space<hbm>> -> memref<8x4096xf32, #tpu.memory_space<hbm>>
        %dma_start3A_135 = arith.constant 0 : i32
        %dma_start3A_136 = tpu.memref_slice %arg5[%div3A_12, %mul3A_131, %dma_start3A_135] : memref<26x32x4096xf32, #tpu.memory_space<hbm>> -> memref<1x8x4096xf32, #tpu.memory_space<hbm>>
        %dma_start3A_137 = tpu.memref_squeeze %dma_start3A_136 : memref<1x8x4096xf32, #tpu.memory_space<hbm>> -> memref<8x4096xf32, #tpu.memory_space<hbm>>
        tpu.enqueue_dma source(%arg16 : memref<8x4096xf32, #tpu.memory_space<vmem>>) target(%dma_start3A_137 : memref<8x4096xf32, #tpu.memory_space<hbm>>) target_semaphore(%arg18 : memref<!tpu.dma_semaphore, #tpu.memory_space<semaphore_mem>>)
        %mul3A_138 = arith.constant 8 : i32
        %mul3A_139 = arith.muli %rem3A_13, %mul3A_138 : i32
        %dma_wait3A_140 = arith.constant 0 : i32
        %dma_wait3A_141 = tpu.memref_slice %arg5[%div3A_12, %mul3A_139, %dma_wait3A_140] : memref<26x32x4096xf32, #tpu.memory_space<hbm>> -> memref<1x8x4096xf32, #tpu.memory_space<hbm>>
        %dma_wait3A_142 = tpu.memref_squeeze %dma_wait3A_141 : memref<1x8x4096xf32, #tpu.memory_space<hbm>> -> memref<8x4096xf32, #tpu.memory_space<hbm>>
        %dma_wait3A_143 = arith.constant 0 : i32
        %dma_wait3A_144 = tpu.memref_slice %arg5[%div3A_12, %mul3A_139, %dma_wait3A_143] : memref<26x32x4096xf32, #tpu.memory_space<hbm>> -> memref<1x8x4096xf32, #tpu.memory_space<hbm>>
        %dma_wait3A_145 = tpu.memref_squeeze %dma_wait3A_144 : memref<1x8x4096xf32, #tpu.memory_space<hbm>> -> memref<8x4096xf32, #tpu.memory_space<hbm>>
        tpu.wait_dma2 semaphore(%arg18 : memref<!tpu.dma_semaphore, #tpu.memory_space<semaphore_mem>>) src(%arg16 : memref<8x4096xf32, #tpu.memory_space<vmem>>) dst(%dma_wait3A_145 : memref<8x4096xf32, #tpu.memory_space<hbm>>)
      } else {
      }
    }
    %scan3A_5 = arith.constant 4 : i32
    return
  }
}

</mosaic_0001>

<sc_bundles>
// kernel: kernel.3.cloned.1.call-start
scs
__scs_entry_jumppad:
0x0: {  	(pc) =	sbr.rel $0x88, $3  }
0x1: {  	(tag) =	ssettag $0x0;
	lr =	simm.s32 $0x1  }
0x2: {  	[smem:$0x3F9F] =	sst lr;
	_ =	strace $0xD0000000  }
0x3: {  	_ = 	snop  }
0x4: {  	_ = 	snop  }
0x5: {  	_ = 	snop  }
0x6: {  	_ = 	snop  }
0x7: {  	_ = 	snop  }
__scs_overlays_trampoline_lowered:
0x8: {  	[smem:$0x3FAE] =	sst s0  }
0x9: {  	[smem:$0x3FAF] =	sst s1  }
0xa: {  	[smem:$0x3FB0] =	sst s2  }
0xb: {  	[smem:$0x3FB1] =	sst s3  }
0xc: {  	[smem:$0x3FB2] =	sst s4  }
0xd: {  	[smem:$0x3FB3] =	sst s5  }
0xe: {  	[smem:$0x3FB4] =	sst s6  }
0xf: {  	[smem:$0x3FB5] =	sst s7  }
0x10: {  	[smem:$0x3FB6] =	sst s8  }
0x11: {  	[smem:$0x3FB7] =	sst s9;
	s0 =	simm.s32 @!p0 $0x0  }
0x12: {  	s1 =	sld [smem:$0x3F9D];
	s0 =	simm.s32 @p0 $0x1  }
0x13: {  	[smem:$0x3FB8] =	sst s0;
	s0 =	simm.s32 @!p1 $0x0  }
0x14: {  	s2 =	sld [smem:$0x3F9C];
	s0 =	simm.s32 @p1 $0x1  }
0x15: {  	[smem:$0x3FB9] =	sst s0;
	s0 =	simm.s32 @!p2 $0x0  }
0x16: {  	s3 =	sld [smem:$0x3FDB];
	s0 =	simm.s32 @p2 $0x1  }
0x17: {  	s4 =	simm.s32 $0x1BF5;
	[smem:$0x3FBB] =	sst s0  }
0x18: {  	s0 =	sld [smem:$0x3F9E];
	_ =	swait.ge [sflag:s4], $0x0  }
0x19: {  	s7 =	sld [smem:$0x3F9F]  }
0x1a: {  	s8 =	sadd.s32 $0xFFFFE003, lr  }
0x1b: {  	s9 =	sadd.s32 $0xFFFFFEF7, lr;
	s5 =	simm.s32 $0xFFFFFFFF;
	p2 =	slt.u32 s8, $0xFFFFF086  }
0x1c: {  	p1 =	slt.u32 s9, $0xF7A;
	s5 =	simm.s32 @!p2 $0x0  }
0x1d: {  	s5 =	simm.s32 @p1 $0x1;
	p0 =	seq.s32 s7, s2  }
0x1e: {  	s7 =	smul.u32 @!p0 $0xF7A, s2;
	p2 =	seq.s32 @!p0 s5, $0x0  }
0x1f: {  	s9 =	smul.u32 $0xF7A, s1;
	s8 =	simm.s32 @!p0 $0x1BF5;
	p2 =	por !p2, p0  }
0x20: {  	[sflag:s8] =	ssyncset.s32 @!p0 $0xFFFFF086;
	s6 =	sadd.s32 @!p0 s3, s7;
	s7 =	simm.s32 @!p0 $0x108  }
0x21: {  	s3 =	sadd.s32 s3, s9;
	s6 =	sadd.s32 @!p0 $0x88, s6;
	s7 =	simm.s32 @p2 $0x1082  }
0x22: {  	[simem:s7], [sflag:s8] =	dma.local @!p0 [hbm:s6], $0xF7A  }
0x23: {  	s9 =	sor.u32 $0xD0000000, s2;
	s6 =	simm.s32 $0x108;
	_ =	swait.ge @!p0 [sflag:s8], $0x0  }
0x24: {  	s3 =	sadd.s32 $0x88, s3;
	s6 =	simm.s32 @!p1 $0x1082;
	[sflag:s4] =	ssyncset.s32 $0xFFFFF086  }
0x25: {  	[simem:s6], [sflag:s4] =	dma.local [hbm:s3], $0xF7A  }
0x26: {  	[smem:$0x3F9F] =	sst s1;
	(tag) =	ssettag s2;
	_ =	strace s9  }
0x27: {  	s1 =	sld [smem:$0x3FAF]  }
0x28: {  	s2 =	sld [smem:$0x3FB0]  }
0x29: {  	s4 =	sld [smem:$0x3FB2]  }
0x2a: {  	p0 =	seq.s32 s5, $0x0;
	s5 =	sld [smem:$0x3FB3]  }
0x2b: {  	s6 =	sld [smem:$0x3FB4]  }
0x2c: {  	s7 =	sld [smem:$0x3FB5]  }
0x2d: {  	s3 =	simm.s32 $0x108;
	s8 =	sld [smem:$0x3FB6]  }
0x2e: {  	s3 =	simm.s32 @!p0 $0x1082;
	s9 =	sld [smem:$0x3FB7]  }
0x2f: {  	lr =	sadd.s32 s0, s3;
	s0 =	sld [smem:$0x3FAE]  }
0x30: {  	s3 =	sld [smem:$0x3FB1]  }
0x31: {  	[smem:$0x3FBA] =	sst s10  }
0x32: {  	s10 =	sld [smem:$0x3FB8];
	_ =	sdelay $0x3  }
0x33: {  	p0 =	seq.s32 s10, $0x1;
	s10 =	sld [smem:$0x3FBA];
	_ =	sdelay $0x3  }
0x34: {  	[smem:$0x3FBA] =	sst s10  }
0x35: {  	s10 =	sld [smem:$0x3FB9];
	_ =	sdelay $0x3  }
0x36: {  	p1 =	seq.s32 s10, $0x1;
	s10 =	sld [smem:$0x3FBA];
	_ =	sdelay $0x3  }
0x37: {  	[smem:$0x3FBA] =	sst s10  }
0x38: {  	s10 =	sld [smem:$0x3FBB]  }
0x39: {  	_ = 	snop;
	(pc) =	sbr.ind lr, $3  }
0x3a: {  	_ = 	snop  }
0x3b: {  	_ = 	snop  }
0x3c: {  	p2 =	seq.s32 s10, $0x1;
	s10 =	sld [smem:$0x3FBA]  }
0x3d: {  	_ =	shalt  }
0x3e: {  	_ =	shalt  }
0x3f: {  	_ =	shalt  }
0x40: {  	_ =	shalt  }
0x41: {  	_ =	shalt  }
0x42: {  	_ =	shalt  }
0x43: {  	_ =	shalt  }
0x44: {  	_ =	shalt  }
0x45: {  	_ =	shalt  }
0x46: {  	_ =	shalt  }
0x47: {  	_ =	shalt  }
0x48: {  	_ =	shalt  }
0x49: {  	_ =	shalt  }
0x4a: {  	_ =	shalt  }
0x4b: {  	_ =	shalt  }
0x4c: {  	_ =	shalt  }
0x4d: {  	_ =	shalt  }
0x4e: {  	_ =	shalt  }
0x4f: {  	_ =	shalt  }
0x50: {  	_ =	shalt  }
0x51: {  	_ =	shalt  }
0x52: {  	_ =	shalt  }
0x53: {  	_ =	shalt  }
0x54: {  	_ =	shalt  }
0x55: {  	_ =	shalt  }
0x56: {  	_ =	shalt  }
0x57: {  	_ =	shalt  }
0x58: {  	_ =	shalt  }
0x59: {  	_ =	shalt  }
0x5a: {  	_ =	shalt  }
0x5b: {  	_ =	shalt  }
0x5c: {  	_ =	shalt  }
0x5d: {  	_ =	shalt  }
0x5e: {  	_ =	shalt  }
0x5f: {  	_ =	shalt  }
0x60: {  	_ =	shalt  }
0x61: {  	_ =	shalt  }
0x62: {  	_ =	shalt  }
0x63: {  	_ =	shalt  }
0x64: {  	_ =	shalt  }
0x65: {  	_ =	shalt  }
0x66: {  	_ =	shalt  }
0x67: {  	_ =	shalt  }
0x68: {  	_ =	shalt  }
0x69: {  	_ =	shalt  }
0x6a: {  	_ =	shalt  }
0x6b: {  	_ =	shalt  }
0x6c: {  	_ =	shalt  }
0x6d: {  	_ =	shalt  }
0x6e: {  	_ =	shalt  }
0x6f: {  	_ =	shalt  }
0x70: {  	_ =	shalt  }
0x71: {  	_ =	shalt  }
0x72: {  	_ =	shalt  }
0x73: {  	_ =	shalt  }
0x74: {  	_ =	shalt  }
0x75: {  	_ =	shalt  }
0x76: {  	_ =	shalt  }
0x77: {  	_ =	shalt  }
0x78: {  	_ =	shalt  }
0x79: {  	_ =	shalt  }
0x7a: {  	_ =	shalt  }
0x7b: {  	_ =	shalt  }
0x7c: {  	_ =	shalt  }
0x7d: {  	_ =	shalt  }
0x7e: {  	_ =	shalt  }
0x7f: {  	_ =	shalt  }
0x80: {  	_ =	shalt  }
0x81: {  	_ =	shalt  }
0x82: {  	_ =	shalt  }
0x83: {  	_ =	shalt  }
0x84: {  	_ =	shalt  }
0x85: {  	_ =	shalt  }
0x86: {  	_ =	shalt  }
0x87: {  	_ =	shalt  }
.Lfunc_end0:
.L_simem_size_0:
called_computation_lowered:
.L_overlay_start_0:
0x88: {  	s2 =	sld [smem:$0x3FD9]  }
0x89: {  	s3 =	sld [smem:$0x3FFE];
	_ =	sdelay $0x1  }
0x8a: {  	s1 =	srdreg.scid  }
0x8b: {  	s0 =	sand.u32 $0x1, s1  }
0x8c: {  	s17 =	sshll.u32 s0, $0xA;
	s2 =	sadd.s32 s3, s2  }
0x8d: {  	s2 =	sadd.s32 s2, s17  }
0x8e: {  	[smem:$0x3FC6] =	sst s2  }
0x8f: {  	_ = 	snop  }
0x90: {  	s2 =	sld [smem:$0x3FC8]  }
0x91: {  	s18 =	sld [smem:$0x3FD0];
	(tm) =	ssettm $0x1  }
0x92: {  	s4 =	sld [smem:$0x3FFB];
	_ =	sdelay $0x3  }
0x93: {  	_ =	strace s4  }
0x94: {  	s4 =	sld [smem:$0x3FFC];
	_ =	sdelay $0x3  }
0x95: {  	_ =	strace s4  }
0x96: {  	s4 =	sld [smem:$0x3FFD];
	_ =	sdelay $0x3  }
0x97: {  	_ =	strace s4  }
0x98: {  	_ =	strace $0x8FFFFFFF  }
0x99: {  	s19 =	sld [smem:$0x3FDB];
	_ =	sdelay $0x1  }
0x9a: {  	s5 =	simm.s32 $_scs_section_size  }
0x9b: {  	s6 =	simm.s32 $_size__tile_overlayer_lowered;
	s7 =	simm.s32 $_tile_overlayer_lowered  }
0x9c: {  	s22 =	simm.s32 $0x1BFF;
	s21 =	sshll.u32 s7, $0x1;
	s4 =	sadd.s32 s5, s19  }
0x9d: {  	s8 =	simm.s32 $0x0;
	s20 =	sshll.u32 s6, $0x1;
	s6 =	sadd.s32 s21, s4  }
0x9e: {  	[timem:s8], [sflag:s22] =	dma.local [hbm:s6], s20  }
0x9f: {  	_ =	swait.ge [sflag:s22], s20  }
0xa0: {  	s5 =	ssub.s32 $0x0, s20;
	[sflag:s22] =	ssyncset.done $0x0  }
0xa1: {  	[sflag:s22] =	ssyncadd.s32 s5;
	_ =	sdelay $0x1  }
0xa2: {  	s23 =	simm.s32 $0x1B8B  }
0xa3: {  	_ =	swait.ge [sflag:s23], $0x1  }
0xa4: {  	[sflag:s23] =	ssyncset.done $0x0  }
0xa5: {  	s25 =	simm.s32 $0x1B8E;
	s24 =	sld [smem:$0x3FFE];
	[sflag:s23] =	ssyncadd.s32 $0xFFFFFFFF  }
0xa6: {  	s26 =	simm.s32 $execute0_lowered;
	[smem:$0x3FD2] =	sst s25  }
0xa7: {  	s6 =	sshll.u32 s26, $0x1;
	_ =	strace $0x80000046;
	[dreg:$0x1] =	wrdreg $0xFFFFFFFF  }
0xa8: {  	s28 =	simm.s32 $_size_execute0_lowered;
	s4 =	sadd.s32 s4, s6;
	[dreg:$0x0] =	wrdreg $0x0  }
0xa9: {  	s6 =	sshll.u32 s28, $0x1;
	[dreg:$0x2] =	wrdreg s4  }
0xaa: {  	[dreg:$0x3] =	wrdreg s6  }
0xab: {  	[dreg:$0x4] =	wrdreg $0xC0  }
0xac: {  	_ =	task [dreg:s8], $0x5FFFF  }
0xad: {  	[dreg:$0x1] =	wrdreg $0xFFFFFFFF  }
0xae: {  	[dreg:$0x0] =	wrdreg $0x60  }
0xaf: {  	[dreg:$0x2] =	wrdreg s2  }
0xb0: {  	[dreg:$0x3] =	wrdreg s24  }
0xb1: {  	[dreg:$0x4] =	wrdreg s18  }
0xb2: {  	[dreg:$0x5] =	wrdreg $0x9  }
0xb3: {  	_ =	task.clear_ibuf [dreg:s8], $0x6FFFF;
	_ =	strace $0x90000046  }
0xb4: {  	s29 =	simm.s32 $0x9;
	_ =	strace $0x80000048  }
0xb5: {  	_ =	swait.ge [sflag:s29], $0x1  }
0xb6: {  	[sflag:s29] =	ssyncadd.s32 $0xFFFFFFFF  }
0xb7: {  	_ =	strace $0x90000048  }
0xb8: {  	_ =	sfence  }
0xb9: {  	s30 =	sld [smem:$0x0];
	_ =	sdelay $0x2  }
0xba: {  	s31 =	sshll.u32 s1, $0xD;
	s1 =	sshrl.u32 s1, $0x2  }
0xbb: {  	s3 =	sand.u32 $0x4000, s31;
	s1 =	sadd.s32 s1, s30  }
0xbc: {  	s0 =	sor.u32 s3, s0;
	s1 =	sshll.u32 s1, $0x11  }
0xbd: {  	s0 =	sor.u32 s1, s0  }
0xbe: {  	s0 =	sadd.s32 $0x8F2B, s0  }
0xbf: {  	[sflag:s0] =	ssyncadd.remote.s32 $0x1  }
0xc0: {  	_ =	sfence.sel $0xFFFF  }
0xc1: {  	[dreg:$0x0] =	wrdreg $0xFFFFFFFF;
	(pc) =	sbr.abs _section_cstart, $3  }
0xc2: {  	[dreg:$0x1] =	wrdreg $0xFFFFFFFF  }
0xc3: {  	_ =	task.clear_ibuf [dreg:s8], $0x2FFFF;
	_ =	strace $0x9FFFFFFF  }
0xc4: {  	(tm) =	ssettm $0x7FFFFFFF  }
0xc5: {  	_ =	shalt  }
tec
execute0_lowered:
.L_overlay_start_1:
0x0: {  	(tag) =	ssettag $0x1  }
0x1: {  	s1 =	rddreg [dreg:$0x0]  }
0x2: {  	s0 =	rddreg [dreg:$0x1]  }
0x3: {  	s2 =	rddreg [dreg:$0x2];
	s3 =	simm.s32 $0x0  }
0x4: {  	s4 =	stileid.u32;
	s5 =	srdreg.scid;
	s10 =	simm.s32 $0x3  }
0x5: {  	s11 =	simm.s32 $0x1000;
	s12 =	simm.s32 $0x3000;
	s13 =	simm.s32 $0x4000  }
0x6: {  	s14 =	simm.s32 $0x5080;
	s15 =	simm.s32 $0x9080;
	s16 =	simm.s32 $0x11080  }
0x7: {  	s17 =	simm.s32 $0x14480;
	s18 =	simm.s32 $0xD080;
	s19 =	simm.s32 $0x1  }
0x8: {  	s20 =	simm.s32 $0x5000;
	s21 =	simm.s32 $0x14880;
	[smem:$0x7FF] =	sst s3  }
0x9: {  	s4 =	sshll.u32 s4, $0x1;
	s5 =	sand.u32 $0x1, s5;
	s7 =	sadd.s32 $0x3800, s0  }
0xa: {  	s0 =	sadd.s32 $0x400, s0;
	_ =	strace $0x80000047;
	s6 =	sand.u32 $0x2, s4  }
.Ltmp0:
0xb: {  	[dreg:$0x4] =	wrdreg s7;
	s30 =	ssub.s32 $0x2, s5;
	(pc) =	sbr.rel .LBB2_1-.Ltmp0, $4  }
0xc: {  	v0 =	vlaneseq.u32;
	[dreg:$0x5] =	wrdreg s0;
	s5 =	sor.u32 s5, s6;
	s31 =	sshrl.u32 s30, $0x1  }
0xd: {  	v2 =	vimm.s32 $0x0;
	v1 =	vmul.u32 $0x80, v0;
	s6 =	sshll.u32 s5, $0xC;
	s0 =	ssub.s32 s30, s31;
	s5 =	sshll.u32 s5, $0x3  }
0xe: {  	v3 =	vimm.s32 $0x1;
	s22 =	simm.s32 $0x2;
	v7 =	vor.u32 $0x30, v0;
	v8 =	vadd.s32 $0x31, v0;
	[dreg:$0x6] =	wrdreg s5;
	s0 =	smax.u32 s0, $0x1  }
0xf: {  	v4 =	vor.u32 $0x800, v1;
	v5 =	vor.u32 $0x1000, v1;
	v6 =	vor.u32 $0x1800, v1;
	s8 =	sadd.s32 s2, s6;
	s2 =	simm.s32 $0x0;
	[dreg:$0x7] =	wrdreg s0  }
.LBB2_35:
0x10: {  	s2 =	rddreg [dreg:$0x8]  }
0x11: {  	s0 =	rddreg [dreg:$0x7];
	s2 =	sadd.s32 $0x1, s2  }
0x12: {  	p0 =	sne.s32 s2, s0  }
.Ltmp1:
0x13: {  	_ = 	snop;
	(pc) =	sbr.rel @!p0 .LBB2_36-.Ltmp1, $1  }
0x14: {  	_ =	sdelay $0x3  }
.LBB2_1:
.Ltmp2:
0x15: {  	(pc) =	sbr.rel .LBB2_2-.Ltmp2, $2  }
0x16: {  	_ =	sdelay $0x2  }
0x17: {  	[dreg:$0x8] =	wrdreg s2;
	s24 =	simm.s32 $0x0  }
.LBB2_32:
0x18: {  	_ =	sdelay $0x4  }
0x19: {  	[tilespmem:v10+s21+$0x0] =	vst.idx.msk vm0, v9  }
.LBB2_33:
0x1a: {  	s0 =	sshll.u32 s25, $0xE  }
0x1b: {  	s0 =	sadd.s32 s0, s8  }
0x1c: {  	[hbm4b:s0+s3] =	stream.linear.scatter [tilespmem:s21], [sflag:$0x2], $0x8000, $0x38;
	[tilespmem:$0x1C880] =	vst v63  }
0x1d: {  	_ =	swait.ge [sflag:s22], $0x8000  }
0x1e: {  	[sflag:s22] =	ssyncset.done $0x0  }
0x1f: {  	[sflag:s22] =	ssyncadd.s32 $0xFFFF8000  }
.LBB2_34:
0x20: {  	s24 =	sadd.s32 $0x1, s24  }
0x21: {  	p0 =	sne.s32 s24, $0x4  }
.Ltmp3:
0x22: {  	_ = 	snop;
	(pc) =	sbr.rel @!p0 .LBB2_35-.Ltmp3, $1  }
0x23: {  	_ =	sdelay $0x3  }
.LBB2_2:
0x24: {  	s0 =	sshll.u32 s24, $0x5  }
0x25: {  	s0 =	sor.u32 s4, s0  }
0x26: {  	p0 =	sgt.u32 s0, $0x67  }
.Ltmp4:
0x27: {  	_ = 	snop;
	(pc) =	sbr.rel @p0 .LBB2_34-.Ltmp4, $1  }
0x28: {  	_ =	sdelay $0x3  }
0x29: {  	s2 =	simm.s32 $0x200;
	s5 =	simm.s32 $0x0  }
.LBB2_4:
0x2a: {  	p0 =	sne.s32 s2, $0x7E00;
	[tilespmem:s5+$0x1000] =	vst v2;
	s5 =	smov.u32 s2;
	s2 =	sadd.s32 $0x200, s2  }
.Ltmp5:
0x2b: {  	(pc) =	sbr.rel @p0 .LBB2_4-.Ltmp5, $2  }
0x2c: {  	_ =	sdelay $0x2  }
0x2d: {  	s5 =	sshra.s32 s5, $0x2  }
0x2e: {  	s25 =	sshrl.u32 s0, $0x2  }
0x2f: {  	s2 =	rddreg [dreg:$0x5];
	s0 =	sshll.u32 s25, $0x9  }
0x30: {  	[tilespmem:s5+$0x1000] =	vst v2;
	s2 =	sadd.s32 s2, s0;
	s0 =	simm.s32 $0x0  }
0x31: {  	[tilespmem:s0], [sflag:$0x3] =	stream.linear.gather [hbm4b:s2+s0], $0x1000, $0x38;
	[tilespmem:$0x1C880] =	vst v63  }
0x32: {  	_ =	swait.ge [sflag:s10], $0x1000  }
0x33: {  	[sflag:s10] =	ssyncset.done $0x0  }
0x34: {  	s5 =	simm.s32 $0x0;
	s2 =	simm.s32 $0x40;
	[sflag:s10] =	ssyncadd.s32 $0xFFFFF000  }
.LBB2_6:
0x35: {  	p0 =	sne.s32 s2, $0x3FC0;
	v9 =	vld [tilespmem:s5+$0x0];
	_ =	sdelay $0x4  }
0x36: {  	v10 =	vshrl.u32 v9, $0xB;
	vm0 =	vgt.s32 v9, $0x1867F  }
0x37: {  	v9 =	vmin.u32 v10, $0x30;
	v10 =	vsel vm0, $0x1, v2  }
0x38: {  	v9 =	vadd.s32 v10, v9  }
0x39: {  	v9 =	vshll.u32 v9, $0x7  }
0x3a: {  	v9 =	vor.u32 v0, v9  }
.Ltmp6:
0x3b: {  	(pc) =	sbr.rel @p0 .LBB2_6-.Ltmp6, $2  }
0x3c: {  	_ =	sdelay $0x2  }
0x3d: {  	s5 =	sshra.s32 s2, $0x2;
	s2 =	sadd.s32 $0x40, s2;
	[tilespmem:v9+s11+$0x0] =	vst.idx.add.s32.msk $0xffff, v3  }
0x3e: {  	v9 =	vld [tilespmem:s5+$0x0];
	_ =	sdelay $0x4  }
0x3f: {  	v10 =	vshrl.u32 v9, $0xB;
	vm0 =	vgt.s32 v9, $0x1867F  }
0x40: {  	v9 =	vmin.u32 v10, $0x30;
	v10 =	vsel vm0, $0x1, v2  }
0x41: {  	v9 =	vadd.s32 v10, v9  }
0x42: {  	v9 =	vshll.u32 v9, $0x7  }
0x43: {  	v9 =	vor.u32 v0, v9;
	_ =	sdelay $0x4  }
0x44: {  	s6 =	simm.s32 $0x0;
	[tilespmem:v9+s11+$0x0] =	vst.idx.add.s32.msk $0xffff, v3  }
0x45: {  	v9 =	vld [tilespmem:s6+$0x1000];
	_ =	sdelay $0x4  }
0x46: {  	(xrf0) =	vadd.scan.msk.s32 $0xffff, v9;
	_ =	sdelay $0x5  }
0x47: {  	v10, _, _ =	vpop (xrf0)  }
0x48: {  	(v2sf) =	vpush v10, $0xF  }
0x49: {  	v9 =	vsub.s32 s0, v9  }
0x4a: {  	v9 =	vadd.s32 v10, v9  }
0x4b: {  	s2 =	simm.s32 $0x80;
	s5 =	simm.s32 $0x400;
	[tilespmem:s6+$0x1000] =	vst v9  }
.LBB2_8:
0x4c: {  	p0 =	sne.s32 s5, $0x7E00;
	v9 =	vld [tilespmem:s2+$0x1000];
	_ =	sdelay $0x4  }
0x4d: {  	(xrf0) =	vadd.scan.msk.s32 $0xffff, v9;
	_ =	sdelay $0x5  }
.Ltmp7:
0x4e: {  	v10, _, _ =	vpop (xrf0);
	s6 =	spop (v2sf);
	(pc) =	sbr.rel @p0 .LBB2_8-.Ltmp7, $4  }
0x4f: {  	(v2sf) =	vpush v10, $0xF;
	s0 =	sadd.s32 s0, s6  }
0x50: {  	v9 =	vsub.s32 s0, v9  }
0x51: {  	v9 =	vadd.s32 v10, v9  }
0x52: {  	[tilespmem:s2+$0x1000] =	vst v9;
	s2 =	sshra.s32 s5, $0x2;
	s5 =	sadd.s32 $0x200, s5  }
0x53: {  	_ =	sdelay $0x1  }
0x54: {  	v9 =	vld [tilespmem:s2+$0x1000];
	_ =	sdelay $0x4  }
0x55: {  	(xrf0) =	vadd.scan.msk.s32 $0xffff, v9;
	_ =	sdelay $0x3  }
0x56: {  	s5 =	spop (v2sf)  }
0x57: {  	s0 =	sadd.s32 s0, s5  }
0x58: {  	v10, _, _ =	vpop (xrf0);
	v9 =	vsub.s32 s0, v9  }
0x59: {  	v9 =	vadd.s32 v10, v9  }
0x5a: {  	[tilespmem:s2+$0x1000] =	vst v9  }
0x5b: {  	v9 =	vld.idx.msk [tilespmem:v1+s11+$0x0], $0xffff;
	_ =	sdelay $0x4  }
0x5c: {  	[tilespmem:$0x5000] =	vst v9  }
0x5d: {  	v9 =	vld.idx.msk [tilespmem:v4+s11+$0x0], $0xffff;
	_ =	sdelay $0x1  }
0x5e: {  	(v2sf) =	vpush v10, $0xF;
	_ =	sdelay $0x2  }
0x5f: {  	[tilespmem:$0x5010] =	vst v9  }
0x60: {  	v9 =	vld.idx.msk [tilespmem:v5+s11+$0x0], $0xffff;
	_ =	sdelay $0x4  }
0x61: {  	[tilespmem:$0x5020] =	vst v9  }
0x62: {  	v9 =	vld.idx.msk [tilespmem:v6+s11+$0x0], $0xffff;
	_ =	sdelay $0x4  }
0x63: {  	s0 =	simm.s32 $0x0;
	s2 =	simm.s32 $0x0;
	s31 =	spop (v2sf);
	[tilespmem:$0x5030] =	vst v9  }
.LBB2_10:
0x64: {  	v9 =	vld [tilespmem:s0+$0x0];
	_ =	sdelay $0x4  }
0x65: {  	v10 =	vshrl.u32 v9, $0xB;
	vm0 =	vgt.s32 v9, $0x1867F  }
0x66: {  	v10 =	vmin.u32 v10, $0x30;
	v11 =	vsel vm0, $0x1, v2  }
0x67: {  	v10 =	vadd.s32 v11, v10  }
0x68: {  	v10 =	vshll.u32 v10, $0x7  }
0x69: {  	v10 =	vor.u32 v0, v10;
	_ =	sdelay $0x4  }
0x6a: {  	v11 =	vld.idx.msk [tilespmem:v10+s11+$0x0], $0xffff;
	_ =	sdelay $0x4  }
0x6b: {  	p0 =	sne.s32 s2, $0xFF0  }
.Ltmp8:
0x6c: {  	_ = 	snop;
	(pc) =	sbr.rel @p0 .LBB2_10-.Ltmp8, $4  }
0x6d: {  	_ = 	snop  }
0x6e: {  	[tilespmem:v11+s12+$0x0] =	vst.idx.msk $0xffff, v9;
	v9 =	vor.u32 s2, v0  }
0x6f: {  	[tilespmem:v11+s13+$0x0] =	vst.idx.msk $0xffff, v9  }
0x70: {  	s0 =	sadd.s32 $0x10, s0;
	s2 =	sadd.s32 $0x10, s2;
	[tilespmem:v10+s11+$0x0] =	vst.idx.add.s32.msk $0xffff, v3  }
0x71: {  	s0 =	sshll.u32 s25, $0x5;
	s2 =	rddreg [dreg:$0x6]  }
0x72: {  	s0 =	sor.u32 s2, s0  }
0x73: {  	s2 =	sshrl.u32 s0, $0x3  }
0x74: {  	s26 =	smul.u32 $0xC3800, s2;
	_ =	sdelay $0x1  }
0x75: {  	s2 =	sshrl.u32 s26, $0x3  }
0x76: {  	s28 =	simm.s32 $0x0;
	s2 =	sadd.s32 s1, s2  }
0x77: {  	[tilespmem:s14], [sflag:$0x1] =	stream.linear.gather [hbm4b:s2+s28], $0x4000, $0x38;
	[tilespmem:$0x1C880] =	vst v63  }
0x78: {  	s5 =	sadd.s32 $0x800, s2  }
0x79: {  	[tilespmem:s15], [sflag:$0x1] =	stream.linear.gather [hbm4b:s5+s28], $0x4000, $0x38;
	[tilespmem:$0x1C880] =	vst v63  }
.Ltmp9:
0x7a: {  	_ = 	snop;
	(pc) =	sbr.rel .LBB2_12-.Ltmp9, $4  }
0x7b: {  	s31 =	rddreg [dreg:$0x4];
	s0 =	sshll.u32 s0, $0x4;
	s2 =	sadd.s32 $0x18000, s2  }
0x7c: {  	[tilespmem:s16], [sflag:$0x2] =	stream.linear.gather [hbm4b:s2+s28], $0x3400, $0x38;
	[tilespmem:$0x1C880] =	vst v63  }
0x7d: {  	s0 =	sadd.s32 s31, s0;
	s29 =	sadd.s32 $0xC000, s26;
	s30 =	sadd.s32 $0x10000, s26  }
0x7e: {  	[tilespmem:s17], [sflag:$0x2] =	stream.linear.gather [hbm4b:s0+s28], $0x400, $0x38;
	[tilespmem:$0x1C880] =	vst v63  }
.LBB2_23:
0x7f: {  	_ =	sdelay $0x4  }
0x80: {  	[tilespmem:v12+s21+$0x0] =	vst.idx.msk vm0, v11  }
.LBB2_24:
0x81: {  	s28 =	sadd.s32 $0x1, s28  }
0x82: {  	p0 =	sne.s32 s28, $0x10  }
.Ltmp10:
0x83: {  	_ = 	snop;
	(pc) =	sbr.rel @!p0 .LBB2_25-.Ltmp10, $1  }
0x84: {  	_ =	sdelay $0x3  }
.LBB2_12:
0x85: {  	s0 =	smul.u32 $0x3, s28;
	_ =	sdelay $0x1  }
0x86: {  	s31 =	sadd.s32 $0x2, s0  }
0x87: {  	s2 =	sshll.u32 s31, $0xE  }
0x88: {  	s2 =	sadd.s32 s26, s2  }
0x89: {  	s2 =	sshrl.u32 s2, $0x3  }
0x8a: {  	v9 =	vadd.s32 s0, v0;
	s2 =	sadd.s32 s1, s2  }
0x8b: {  	[tilespmem:s18], [sflag:$0x1] =	stream.linear.gather [hbm4b:s2+s3], $0x4000, $0x38;
	[tilespmem:$0x1C880] =	vst v63  }
0x8c: {  	_ =	swait.ge [sflag:s19], $0x4000  }
0x8d: {  	[sflag:s19] =	ssyncset.done $0x0  }
0x8e: {  	[sflag:s19] =	ssyncadd.s32 $0xFFFFC000  }
0x8f: {  	v9 =	vld.idx.msk [tilespmem:v9+s20+$0x0], $0xffff;
	_ =	sdelay $0x4  }
0x90: {  	(v2sf) =	vpush v9, $0x0  }
0x91: {  	(v2sf) =	vpush v9, $0x1;
	_ =	sdelay $0xd  }
0x92: {  	s7 =	spop (v2sf)  }
0x93: {  	s5 =	spop (v2sf)  }
0x94: {  	s5 =	sadd.s32 $0xF, s5  }
0x95: {  	s6 =	sshra.s32 s7, $0x1F;
	s9 =	sshra.s32 s5, $0x1F  }
0x96: {  	s6 =	sshrl.u32 s6, $0x1C;
	s9 =	sshrl.u32 s9, $0x1C  }
0x97: {  	s2 =	sadd.s32 s6, s7;
	s23 =	sadd.s32 s9, s5  }
0x98: {  	s5 =	sshra.s32 s2, $0x4;
	s23 =	sshra.s32 s23, $0x4  }
0x99: {  	p0 =	sle.s32 s23, s5  }
.Ltmp11:
0x9a: {  	_ = 	snop;
	(pc) =	sbr.rel @p0 .LBB2_16-.Ltmp11, $1  }
0x9b: {  	_ =	sdelay $0x3  }
0x9c: {  	s2 =	sshll.u32 s5, $0x6  }
0x9d: {  	s6 =	sshra.s32 s2, $0x2  }
0x9e: {  	s2 =	sadd.s32 $0x3000, s6  }
0x9f: {  	v11 =	vld [tilespmem:s2+$0x0];
	_ =	sdelay $0x1  }
0xa0: {  	s9 =	smul.u32 $0x1800, s28;
	_ =	sdelay $0x1  }
0xa1: {  	v9 =	vmov s9  }
0xa2: {  	v10 =	vsub.s32 v11, v9  }
0xa3: {  	vm0 =	vgt.s32 v10, $0x0  }
0xa4: {  	s9 =	sadd.s32 $0x800, s9;
	v12 =	vnsel vm0, $0x0, v10  }
0xa5: {  	v10 =	vmov s9;
	s9 =	sadd.s32 $0x4000, s6;
	v12 =	vmin.u32 v12, $0x7FF  }
0xa6: {  	vm0 =	vge.s32 v11, v9;
	vm1 =	vlt.s32 v11, v10;
	v13 =	vld [tilespmem:s9+$0x0];
	v11 =	vshll.u32 v12, $0x3  }
0xa7: {  	vm0 =	vmand vm0, vm1;
	v12 =	vand.u32 $0x7F, v12;
	v11 =	vand.u32 $0x3C00, v11  }
0xa8: {  	v11 =	vor.u32 v12, v11;
	_ =	sdelay $0x2  }
0xa9: {  	v12 =	vshll.u32 v13, $0x3  }
0xaa: {  	v13 =	vand.u32 $0x7F, v13;
	v12 =	vand.u32 $0xFFFFFC00, v12  }
0xab: {  	v12 =	vor.u32 v13, v12;
	v14 =	vld.idx.msk [tilespmem:v11+s14+$0x0], vm0  }
0xac: {  	v13 =	vor.u32 $0x80, v11;
	_ =	sdelay $0x3  }
0xad: {  	[tilespmem:v12+s21+$0x0] =	vst.idx.msk vm0, v14  }
0xae: {  	v14 =	vor.u32 $0x80, v12;
	v13 =	vld.idx.msk [tilespmem:v13+s14+$0x0], vm0  }
0xaf: {  	v15 =	vor.u32 $0x100, v11;
	_ =	sdelay $0x3  }
0xb0: {  	[tilespmem:v14+s21+$0x0] =	vst.idx.msk vm0, v13  }
0xb1: {  	v14 =	vor.u32 $0x100, v12;
	v13 =	vld.idx.msk [tilespmem:v15+s14+$0x0], vm0  }
0xb2: {  	v15 =	vor.u32 $0x180, v11;
	_ =	sdelay $0x3  }
0xb3: {  	[tilespmem:v14+s21+$0x0] =	vst.idx.msk vm0, v13  }
0xb4: {  	v14 =	vor.u32 $0x180, v12;
	v13 =	vld.idx.msk [tilespmem:v15+s14+$0x0], vm0  }
0xb5: {  	v15 =	vor.u32 $0x200, v11;
	_ =	sdelay $0x3  }
0xb6: {  	[tilespmem:v14+s21+$0x0] =	vst.idx.msk vm0, v13  }
0xb7: {  	v14 =	vor.u32 $0x200, v12;
	v13 =	vld.idx.msk [tilespmem:v15+s14+$0x0], vm0  }
0xb8: {  	v15 =	vor.u32 $0x280, v11;
	_ =	sdelay $0x3  }
0xb9: {  	[tilespmem:v14+s21+$0x0] =	vst.idx.msk vm0, v13  }
0xba: {  	v14 =	vor.u32 $0x280, v12;
	v13 =	vld.idx.msk [tilespmem:v15+s14+$0x0], vm0  }
0xbb: {  	v15 =	vor.u32 $0x300, v11;
	_ =	sdelay $0x3  }
0xbc: {  	[tilespmem:v14+s21+$0x0] =	vst.idx.msk vm0, v13  }
0xbd: {  	s23 =	ssub.s32 s23, s5;
	v14 =	vor.u32 $0x300, v12;
	v13 =	vld.idx.msk [tilespmem:v15+s14+$0x0], vm0  }
0xbe: {  	p0 =	sne.s32 s23, $0x1;
	v11 =	vor.u32 $0x380, v11  }
.Ltmp12:
0xbf: {  	_ = 	snop;
	(pc) =	sbr.rel @!p0 .LBB2_15-.Ltmp12, $3  }
0xc0: {  	_ =	sdelay $0x1  }
0xc1: {  	[tilespmem:v14+s21+$0x0] =	vst.idx.msk vm0, v13  }
0xc2: {  	s23 =	sadd.s32 $0xFFFFFFFF, s23;
	v12 =	vor.u32 $0x380, v12;
	v11 =	vld.idx.msk [tilespmem:v11+s14+$0x0], vm0  }
.LBB2_14:
0xc3: {  	_ =	sdelay $0x3  }
0xc4: {  	p0 =	sne.s32 s23, $0x1;
	s2 =	sadd.s32 $0x10, s2;
	s9 =	sadd.s32 $0x10, s9;
	[tilespmem:v12+s21+$0x0] =	vst.idx.msk vm0, v11  }
0xc5: {  	s23 =	sadd.s32 $0xFFFFFFFF, s23;
	v11 =	vld [tilespmem:s2+$0x0];
	_ =	sdelay $0x4  }
0xc6: {  	vm0 =	vge.s32 v11, v9;
	vm1 =	vlt.s32 v11, v10;
	v11 =	vsub.s32 v11, v9  }
0xc7: {  	vm2 =	vgt.s32 v11, $0x0  }
0xc8: {  	v11 =	vnsel vm2, $0x0, v11  }
0xc9: {  	v11 =	vmin.u32 v11, $0x7FF  }
0xca: {  	v12 =	vshll.u32 v11, $0x3  }
0xcb: {  	vm0 =	vmand vm0, vm1;
	v11 =	vand.u32 $0x7F, v11;
	v13 =	vld [tilespmem:s9+$0x0];
	v12 =	vand.u32 $0x3C00, v12  }
0xcc: {  	v11 =	vor.u32 v11, v12;
	_ =	sdelay $0x3  }
0xcd: {  	v12 =	vshll.u32 v13, $0x3  }
0xce: {  	v13 =	vand.u32 $0x7F, v13;
	v14 =	vld.idx.msk [tilespmem:v11+s14+$0x0], vm0;
	v12 =	vand.u32 $0xFFFFFC00, v12  }
0xcf: {  	v12 =	vor.u32 v13, v12  }
0xd0: {  	v13 =	vor.u32 $0x80, v11;
	_ =	sdelay $0x3  }
0xd1: {  	[tilespmem:v12+s21+$0x0] =	vst.idx.msk vm0, v14  }
0xd2: {  	v13 =	vld.idx.msk [tilespmem:v13+s14+$0x0], vm0  }
0xd3: {  	v14 =	vor.u32 $0x80, v12  }
0xd4: {  	v15 =	vor.u32 $0x100, v11;
	_ =	sdelay $0x3  }
0xd5: {  	[tilespmem:v14+s21+$0x0] =	vst.idx.msk vm0, v13  }
0xd6: {  	v13 =	vld.idx.msk [tilespmem:v15+s14+$0x0], vm0  }
0xd7: {  	v14 =	vor.u32 $0x100, v12  }
0xd8: {  	v15 =	vor.u32 $0x180, v11;
	_ =	sdelay $0x3  }
0xd9: {  	[tilespmem:v14+s21+$0x0] =	vst.idx.msk vm0, v13  }
0xda: {  	v13 =	vld.idx.msk [tilespmem:v15+s14+$0x0], vm0  }
0xdb: {  	v14 =	vor.u32 $0x180, v12  }
0xdc: {  	v15 =	vor.u32 $0x200, v11;
	_ =	sdelay $0x3  }
0xdd: {  	[tilespmem:v14+s21+$0x0] =	vst.idx.msk vm0, v13  }
0xde: {  	v13 =	vld.idx.msk [tilespmem:v15+s14+$0x0], vm0  }
0xdf: {  	v14 =	vor.u32 $0x200, v12  }
0xe0: {  	v15 =	vor.u32 $0x280, v11;
	_ =	sdelay $0x3  }
0xe1: {  	[tilespmem:v14+s21+$0x0] =	vst.idx.msk vm0, v13  }
0xe2: {  	v13 =	vld.idx.msk [tilespmem:v15+s14+$0x0], vm0  }
0xe3: {  	v14 =	vor.u32 $0x280, v12  }
0xe4: {  	v15 =	vor.u32 $0x300, v11;
	_ =	sdelay $0x3  }
0xe5: {  	[tilespmem:v14+s21+$0x0] =	vst.idx.msk vm0, v13  }
0xe6: {  	v13 =	vld.idx.msk [tilespmem:v15+s14+$0x0], vm0  }
0xe7: {  	v14 =	vor.u32 $0x300, v12  }
0xe8: {  	v11 =	vor.u32 $0x380, v11;
	_ =	sdelay $0x1  }
.Ltmp13:
0xe9: {  	(pc) =	sbr.rel @p0 .LBB2_14-.Ltmp13, $4  }
0xea: {  	_ = 	snop  }
0xeb: {  	[tilespmem:v14+s21+$0x0] =	vst.idx.msk vm0, v13  }
0xec: {  	v11 =	vld.idx.msk [tilespmem:v11+s14+$0x0], vm0  }
0xed: {  	v12 =	vor.u32 $0x380, v12  }
.LBB2_15:
0xee: {  	_ =	sdelay $0x4  }
0xef: {  	[tilespmem:v12+s21+$0x0] =	vst.idx.msk vm0, v11  }
.LBB2_16:
0xf0: {  	p0 =	seq.s32 s28, $0xF  }
0xf1: {  	s2 =	smul.u32 @!p0 $0xC000, s28;
	_ =	sdelay $0x1  }
0xf2: {  	s5 =	sadd.s32 @!p0 s2, s29  }
0xf3: {  	s23 =	sadd.s32 $0x1, s0;
	s5 =	sshrl.u32 @!p0 s5, $0x3  }
0xf4: {  	s0 =	simm.s32 @!p0 $0x0;
	s6 =	simm.s32 @!p0 $0x5080;
	v9 =	vadd.s32 s23, v0;
	s5 =	sadd.s32 @!p0 s1, s5  }
0xf5: {  	[tilespmem:s6], [sflag:$0x1] =	stream.linear.gather @!p0 [hbm4b:s5+s0], $0x4000, $0x38;
	[tilespmem:$0x1C880] =	vst v63  }
0xf6: {  	_ =	swait.ge [sflag:s19], $0x4000  }
0xf7: {  	[sflag:s19] =	ssyncset.done $0x0  }
0xf8: {  	[sflag:s19] =	ssyncadd.s32 $0xFFFFC000  }
0xf9: {  	v9 =	vld.idx.msk [tilespmem:v9+s20+$0x0], $0xffff;
	_ =	sdelay $0x4  }
0xfa: {  	(v2sf) =	vpush v9, $0x0  }
0xfb: {  	(v2sf) =	vpush v9, $0x1;
	_ =	sdelay $0xd  }
0xfc: {  	s5 =	spop (v2sf)  }
0xfd: {  	s9 =	spop (v2sf)  }
0xfe: {  	s6 =	sadd.s32 $0xF, s9  }
0xff: {  	s9 =	sshra.s32 s5, $0x1F;
	s7 =	sshra.s32 s6, $0x1F  }
0x100: {  	s9 =	sshrl.u32 s9, $0x1C;
	s7 =	sshrl.u32 s7, $0x1C  }
0x101: {  	s5 =	sadd.s32 s9, s5;
	s6 =	sadd.s32 s7, s6  }
0x102: {  	s5 =	sshra.s32 s5, $0x4;
	s6 =	sshra.s32 s6, $0x4  }
0x103: {  	p1 =	sle.s32 s6, s5  }
.Ltmp14:
0x104: {  	_ = 	snop;
	(pc) =	sbr.rel @p1 .LBB2_20-.Ltmp14, $1  }
0x105: {  	_ =	sdelay $0x3  }
0x106: {  	s7 =	sshll.u32 s5, $0x6  }
0x107: {  	s7 =	sshra.s32 s7, $0x2  }
0x108: {  	s9 =	sadd.s32 $0x3000, s7  }
0x109: {  	v11 =	vld [tilespmem:s9+$0x0];
	_ =	sdelay $0x2  }
0x10a: {  	s23 =	sshll.u32 s23, $0xB  }
0x10b: {  	v9 =	vmov s23  }
0x10c: {  	v10 =	vsub.s32 v11, v9  }
0x10d: {  	vm0 =	vgt.s32 v10, $0x0  }
0x10e: {  	s23 =	sadd.s32 $0x800, s23;
	v12 =	vnsel vm0, $0x0, v10  }
0x10f: {  	v10 =	vmov s23;
	s23 =	sadd.s32 $0x4000, s7;
	v12 =	vmin.u32 v12, $0x7FF  }
0x110: {  	vm0 =	vge.s32 v11, v9;
	vm1 =	vlt.s32 v11, v10;
	v13 =	vld [tilespmem:s23+$0x0];
	v11 =	vshll.u32 v12, $0x3  }
0x111: {  	vm0 =	vmand vm0, vm1;
	v12 =	vand.u32 $0x7F, v12;
	v11 =	vand.u32 $0x3C00, v11  }
0x112: {  	v11 =	vor.u32 v12, v11;
	_ =	sdelay $0x2  }
0x113: {  	v12 =	vshll.u32 v13, $0x3  }
0x114: {  	v13 =	vand.u32 $0x7F, v13;
	v12 =	vand.u32 $0xFFFFFC00, v12  }
0x115: {  	v12 =	vor.u32 v13, v12;
	v14 =	vld.idx.msk [tilespmem:v11+s15+$0x0], vm0  }
0x116: {  	v13 =	vor.u32 $0x80, v11;
	_ =	sdelay $0x3  }
0x117: {  	[tilespmem:v12+s21+$0x0] =	vst.idx.msk vm0, v14  }
0x118: {  	v14 =	vor.u32 $0x80, v12;
	v13 =	vld.idx.msk [tilespmem:v13+s15+$0x0], vm0  }
0x119: {  	v15 =	vor.u32 $0x100, v11;
	_ =	sdelay $0x3  }
0x11a: {  	[tilespmem:v14+s21+$0x0] =	vst.idx.msk vm0, v13  }
0x11b: {  	v14 =	vor.u32 $0x100, v12;
	v13 =	vld.idx.msk [tilespmem:v15+s15+$0x0], vm0  }
0x11c: {  	v15 =	vor.u32 $0x180, v11;
	_ =	sdelay $0x3  }
0x11d: {  	[tilespmem:v14+s21+$0x0] =	vst.idx.msk vm0, v13  }
0x11e: {  	v14 =	vor.u32 $0x180, v12;
	v13 =	vld.idx.msk [tilespmem:v15+s15+$0x0], vm0  }
0x11f: {  	v15 =	vor.u32 $0x200, v11;
	_ =	sdelay $0x3  }
0x120: {  	[tilespmem:v14+s21+$0x0] =	vst.idx.msk vm0, v13  }
0x121: {  	v14 =	vor.u32 $0x200, v12;
	v13 =	vld.idx.msk [tilespmem:v15+s15+$0x0], vm0  }
0x122: {  	v15 =	vor.u32 $0x280, v11;
	_ =	sdelay $0x3  }
0x123: {  	[tilespmem:v14+s21+$0x0] =	vst.idx.msk vm0, v13  }
0x124: {  	v14 =	vor.u32 $0x280, v12;
	v13 =	vld.idx.msk [tilespmem:v15+s15+$0x0], vm0  }
0x125: {  	v15 =	vor.u32 $0x300, v11;
	_ =	sdelay $0x3  }
0x126: {  	[tilespmem:v14+s21+$0x0] =	vst.idx.msk vm0, v13  }
0x127: {  	s7 =	ssub.s32 s6, s5;
	v14 =	vor.u32 $0x300, v12;
	v13 =	vld.idx.msk [tilespmem:v15+s15+$0x0], vm0  }
0x128: {  	p1 =	sne.s32 s7, $0x1;
	v11 =	vor.u32 $0x380, v11  }
.Ltmp15:
0x129: {  	_ = 	snop;
	(pc) =	sbr.rel @!p1 .LBB2_19-.Ltmp15, $3  }
0x12a: {  	_ =	sdelay $0x1  }
0x12b: {  	[tilespmem:v14+s21+$0x0] =	vst.idx.msk vm0, v13  }
0x12c: {  	s5 =	sadd.s32 $0xFFFFFFFF, s7;
	v12 =	vor.u32 $0x380, v12;
	v11 =	vld.idx.msk [tilespmem:v11+s15+$0x0], vm0  }
.LBB2_18:
0x12d: {  	_ =	sdelay $0x3  }
0x12e: {  	p1 =	sne.s32 s5, $0x1;
	s9 =	sadd.s32 $0x10, s9;
	s23 =	sadd.s32 $0x10, s23;
	[tilespmem:v12+s21+$0x0] =	vst.idx.msk vm0, v11  }
0x12f: {  	s5 =	sadd.s32 $0xFFFFFFFF, s5;
	v11 =	vld [tilespmem:s9+$0x0];
	_ =	sdelay $0x4  }
0x130: {  	vm0 =	vge.s32 v11, v9;
	vm1 =	vlt.s32 v11, v10;
	v11 =	vsub.s32 v11, v9  }
0x131: {  	vm2 =	vgt.s32 v11, $0x0  }
0x132: {  	v11 =	vnsel vm2, $0x0, v11  }
0x133: {  	v11 =	vmin.u32 v11, $0x7FF  }
0x134: {  	v12 =	vshll.u32 v11, $0x3  }
0x135: {  	vm0 =	vmand vm0, vm1;
	v11 =	vand.u32 $0x7F, v11;
	v13 =	vld [tilespmem:s23+$0x0];
	v12 =	vand.u32 $0x3C00, v12  }
0x136: {  	v11 =	vor.u32 v11, v12;
	_ =	sdelay $0x3  }
0x137: {  	v12 =	vshll.u32 v13, $0x3  }
0x138: {  	v13 =	vand.u32 $0x7F, v13;
	v14 =	vld.idx.msk [tilespmem:v11+s15+$0x0], vm0;
	v12 =	vand.u32 $0xFFFFFC00, v12  }
0x139: {  	v12 =	vor.u32 v13, v12  }
0x13a: {  	v13 =	vor.u32 $0x80, v11;
	_ =	sdelay $0x3  }
0x13b: {  	[tilespmem:v12+s21+$0x0] =	vst.idx.msk vm0, v14  }
0x13c: {  	v13 =	vld.idx.msk [tilespmem:v13+s15+$0x0], vm0  }
0x13d: {  	v14 =	vor.u32 $0x80, v12  }
0x13e: {  	v15 =	vor.u32 $0x100, v11;
	_ =	sdelay $0x3  }
0x13f: {  	[tilespmem:v14+s21+$0x0] =	vst.idx.msk vm0, v13  }
0x140: {  	v13 =	vld.idx.msk [tilespmem:v15+s15+$0x0], vm0  }
0x141: {  	v14 =	vor.u32 $0x100, v12  }
0x142: {  	v15 =	vor.u32 $0x180, v11;
	_ =	sdelay $0x3  }
0x143: {  	[tilespmem:v14+s21+$0x0] =	vst.idx.msk vm0, v13  }
0x144: {  	v13 =	vld.idx.msk [tilespmem:v15+s15+$0x0], vm0  }
0x145: {  	v14 =	vor.u32 $0x180, v12  }
0x146: {  	v15 =	vor.u32 $0x200, v11;
	_ =	sdelay $0x3  }
0x147: {  	[tilespmem:v14+s21+$0x0] =	vst.idx.msk vm0, v13  }
0x148: {  	v13 =	vld.idx.msk [tilespmem:v15+s15+$0x0], vm0  }
0x149: {  	v14 =	vor.u32 $0x200, v12  }
0x14a: {  	v15 =	vor.u32 $0x280, v11;
	_ =	sdelay $0x3  }
0x14b: {  	[tilespmem:v14+s21+$0x0] =	vst.idx.msk vm0, v13  }
0x14c: {  	v13 =	vld.idx.msk [tilespmem:v15+s15+$0x0], vm0  }
0x14d: {  	v14 =	vor.u32 $0x280, v12  }
0x14e: {  	v15 =	vor.u32 $0x300, v11;
	_ =	sdelay $0x3  }
0x14f: {  	[tilespmem:v14+s21+$0x0] =	vst.idx.msk vm0, v13  }
0x150: {  	v13 =	vld.idx.msk [tilespmem:v15+s15+$0x0], vm0  }
0x151: {  	v14 =	vor.u32 $0x300, v12  }
0x152: {  	v11 =	vor.u32 $0x380, v11;
	_ =	sdelay $0x1  }
.Ltmp16:
0x153: {  	(pc) =	sbr.rel @p1 .LBB2_18-.Ltmp16, $4  }
0x154: {  	_ = 	snop  }
0x155: {  	[tilespmem:v14+s21+$0x0] =	vst.idx.msk vm0, v13  }
0x156: {  	v11 =	vld.idx.msk [tilespmem:v11+s15+$0x0], vm0  }
0x157: {  	v12 =	vor.u32 $0x380, v12  }
.LBB2_19:
0x158: {  	_ =	sdelay $0x4  }
0x159: {  	[tilespmem:v12+s21+$0x0] =	vst.idx.msk vm0, v11  }
.LBB2_20:
0x15a: {  	s2 =	sadd.s32 @!p0 s2, s30  }
0x15b: {  	s2 =	sshrl.u32 @!p0 s2, $0x3  }
0x15c: {  	s5 =	simm.s32 @!p0 $0x9080;
	v9 =	vadd.s32 s31, v0;
	s2 =	sadd.s32 @!p0 s1, s2  }
0x15d: {  	[tilespmem:s5], [sflag:$0x1] =	stream.linear.gather @!p0 [hbm4b:s2+s0], $0x4000, $0x38;
	[tilespmem:$0x1C880] =	vst v63  }
0x15e: {  	_ =	swait.ge [sflag:s19], $0x4000  }
0x15f: {  	[sflag:s19] =	ssyncset.done $0x0  }
0x160: {  	[sflag:s19] =	ssyncadd.s32 $0xFFFFC000  }
0x161: {  	v9 =	vld.idx.msk [tilespmem:v9+s20+$0x0], $0xffff;
	_ =	sdelay $0x4  }
0x162: {  	(v2sf) =	vpush v9, $0x0  }
0x163: {  	(v2sf) =	vpush v9, $0x1;
	_ =	sdelay $0xd  }
0x164: {  	s7 =	spop (v2sf)  }
0x165: {  	s9 =	spop (v2sf)  }
0x166: {  	s2 =	sadd.s32 $0xF, s9  }
0x167: {  	s23 =	sshra.s32 s7, $0x1F;
	s6 =	sshra.s32 s2, $0x1F  }
0x168: {  	s5 =	sshrl.u32 s23, $0x1C;
	s6 =	sshrl.u32 s6, $0x1C  }
0x169: {  	s0 =	sadd.s32 s5, s7;
	s2 =	sadd.s32 s6, s2  }
0x16a: {  	s5 =	sshra.s32 s0, $0x4;
	s6 =	sshra.s32 s2, $0x4  }
0x16b: {  	p0 =	sle.s32 s6, s5  }
.Ltmp17:
0x16c: {  	_ = 	snop;
	(pc) =	sbr.rel @p0 .LBB2_24-.Ltmp17, $1  }
0x16d: {  	_ =	sdelay $0x3  }
0x16e: {  	s0 =	sshll.u32 s5, $0x6  }
0x16f: {  	s2 =	sshra.s32 s0, $0x2  }
0x170: {  	s0 =	sadd.s32 $0x3000, s2  }
0x171: {  	v11 =	vld [tilespmem:s0+$0x0];
	_ =	sdelay $0x2  }
0x172: {  	s7 =	sshll.u32 s31, $0xB  }
0x173: {  	v9 =	vmov s7  }
0x174: {  	v10 =	vsub.s32 v11, v9  }
0x175: {  	vm0 =	vgt.s32 v10, $0x0  }
0x176: {  	s7 =	sadd.s32 $0x800, s7;
	v12 =	vnsel vm0, $0x0, v10  }
0x177: {  	s2 =	sadd.s32 $0x4000, s2;
	v10 =	vmov s7;
	v12 =	vmin.u32 v12, $0x7FF  }
0x178: {  	v13 =	vld [tilespmem:s2+$0x0];
	vm0 =	vge.s32 v11, v9;
	vm1 =	vlt.s32 v11, v10;
	v11 =	vshll.u32 v12, $0x3  }
0x179: {  	vm0 =	vmand vm0, vm1;
	v12 =	vand.u32 $0x7F, v12;
	v11 =	vand.u32 $0x3C00, v11  }
0x17a: {  	v11 =	vor.u32 v12, v11;
	_ =	sdelay $0x2  }
0x17b: {  	v12 =	vshll.u32 v13, $0x3  }
0x17c: {  	v13 =	vand.u32 $0x7F, v13;
	v12 =	vand.u32 $0xFFFFFC00, v12  }
0x17d: {  	v12 =	vor.u32 v13, v12;
	v14 =	vld.idx.msk [tilespmem:v11+s18+$0x0], vm0  }
0x17e: {  	v13 =	vor.u32 $0x80, v11;
	_ =	sdelay $0x3  }
0x17f: {  	[tilespmem:v12+s21+$0x0] =	vst.idx.msk vm0, v14  }
0x180: {  	v14 =	vor.u32 $0x80, v12;
	v13 =	vld.idx.msk [tilespmem:v13+s18+$0x0], vm0  }
0x181: {  	v15 =	vor.u32 $0x100, v11;
	_ =	sdelay $0x3  }
0x182: {  	[tilespmem:v14+s21+$0x0] =	vst.idx.msk vm0, v13  }
0x183: {  	v14 =	vor.u32 $0x100, v12;
	v13 =	vld.idx.msk [tilespmem:v15+s18+$0x0], vm0  }
0x184: {  	v15 =	vor.u32 $0x180, v11;
	_ =	sdelay $0x3  }
0x185: {  	[tilespmem:v14+s21+$0x0] =	vst.idx.msk vm0, v13  }
0x186: {  	v14 =	vor.u32 $0x180, v12;
	v13 =	vld.idx.msk [tilespmem:v15+s18+$0x0], vm0  }
0x187: {  	v15 =	vor.u32 $0x200, v11;
	_ =	sdelay $0x3  }
0x188: {  	[tilespmem:v14+s21+$0x0] =	vst.idx.msk vm0, v13  }
0x189: {  	v14 =	vor.u32 $0x200, v12;
	v13 =	vld.idx.msk [tilespmem:v15+s18+$0x0], vm0  }
0x18a: {  	v15 =	vor.u32 $0x280, v11;
	_ =	sdelay $0x3  }
0x18b: {  	[tilespmem:v14+s21+$0x0] =	vst.idx.msk vm0, v13  }
0x18c: {  	v14 =	vor.u32 $0x280, v12;
	v13 =	vld.idx.msk [tilespmem:v15+s18+$0x0], vm0  }
0x18d: {  	v15 =	vor.u32 $0x300, v11;
	_ =	sdelay $0x3  }
0x18e: {  	[tilespmem:v14+s21+$0x0] =	vst.idx.msk vm0, v13  }
0x18f: {  	v14 =	vor.u32 $0x300, v12;
	v13 =	vld.idx.msk [tilespmem:v15+s18+$0x0], vm0  }
0x190: {  	v11 =	vor.u32 $0x380, v11;
	_ =	sdelay $0x2  }
0x191: {  	s31 =	ssub.s32 s6, s5  }
0x192: {  	p0 =	sne.s32 s31, $0x1;
	[tilespmem:v14+s21+$0x0] =	vst.idx.msk vm0, v13  }
.Ltmp18:
0x193: {  	v12 =	vor.u32 $0x380, v12;
	v11 =	vld.idx.msk [tilespmem:v11+s18+$0x0], vm0;
	(pc) =	sbr.rel @!p0 .LBB2_23-.Ltmp18, $2  }
0x194: {  	_ =	sdelay $0x2  }
0x195: {  	s5 =	sadd.s32 $0xFFFFFFFF, s31  }
.LBB2_22:
0x196: {  	p0 =	sne.s32 s5, $0x1;
	[tilespmem:v12+s21+$0x0] =	vst.idx.msk vm0, v11;
	s0 =	sadd.s32 $0x10, s0;
	s2 =	sadd.s32 $0x10, s2  }
0x197: {  	s5 =	sadd.s32 $0xFFFFFFFF, s5;
	v11 =	vld [tilespmem:s0+$0x0];
	_ =	sdelay $0x4  }
0x198: {  	vm0 =	vge.s32 v11, v9;
	vm1 =	vlt.s32 v11, v10;
	v11 =	vsub.s32 v11, v9  }
0x199: {  	vm2 =	vgt.s32 v11, $0x0  }
0x19a: {  	v11 =	vnsel vm2, $0x0, v11  }
0x19b: {  	v11 =	vmin.u32 v11, $0x7FF  }
0x19c: {  	v12 =	vshll.u32 v11, $0x3  }
0x19d: {  	vm0 =	vmand vm0, vm1;
	v11 =	vand.u32 $0x7F, v11;
	v13 =	vld [tilespmem:s2+$0x0];
	v12 =	vand.u32 $0x3C00, v12  }
0x19e: {  	v11 =	vor.u32 v11, v12;
	_ =	sdelay $0x3  }
0x19f: {  	v12 =	vshll.u32 v13, $0x3  }
0x1a0: {  	v13 =	vand.u32 $0x7F, v13;
	v14 =	vld.idx.msk [tilespmem:v11+s18+$0x0], vm0;
	v12 =	vand.u32 $0xFFFFFC00, v12  }
0x1a1: {  	v12 =	vor.u32 v13, v12  }
0x1a2: {  	v13 =	vor.u32 $0x80, v11;
	_ =	sdelay $0x3  }
0x1a3: {  	[tilespmem:v12+s21+$0x0] =	vst.idx.msk vm0, v14  }
0x1a4: {  	v13 =	vld.idx.msk [tilespmem:v13+s18+$0x0], vm0  }
0x1a5: {  	v14 =	vor.u32 $0x80, v12  }
0x1a6: {  	v15 =	vor.u32 $0x100, v11;
	_ =	sdelay $0x3  }
0x1a7: {  	[tilespmem:v14+s21+$0x0] =	vst.idx.msk vm0, v13  }
0x1a8: {  	v13 =	vld.idx.msk [tilespmem:v15+s18+$0x0], vm0  }
0x1a9: {  	v14 =	vor.u32 $0x100, v12  }
0x1aa: {  	v15 =	vor.u32 $0x180, v11;
	_ =	sdelay $0x3  }
0x1ab: {  	[tilespmem:v14+s21+$0x0] =	vst.idx.msk vm0, v13  }
0x1ac: {  	v13 =	vld.idx.msk [tilespmem:v15+s18+$0x0], vm0  }
0x1ad: {  	v14 =	vor.u32 $0x180, v12  }
0x1ae: {  	v15 =	vor.u32 $0x200, v11;
	_ =	sdelay $0x3  }
0x1af: {  	[tilespmem:v14+s21+$0x0] =	vst.idx.msk vm0, v13  }
0x1b0: {  	v13 =	vld.idx.msk [tilespmem:v15+s18+$0x0], vm0  }
0x1b1: {  	v14 =	vor.u32 $0x200, v12  }
0x1b2: {  	v15 =	vor.u32 $0x280, v11;
	_ =	sdelay $0x3  }
0x1b3: {  	[tilespmem:v14+s21+$0x0] =	vst.idx.msk vm0, v13  }
0x1b4: {  	v13 =	vld.idx.msk [tilespmem:v15+s18+$0x0], vm0  }
0x1b5: {  	v14 =	vor.u32 $0x280, v12  }
0x1b6: {  	v15 =	vor.u32 $0x300, v11;
	_ =	sdelay $0x3  }
0x1b7: {  	[tilespmem:v14+s21+$0x0] =	vst.idx.msk vm0, v13  }
0x1b8: {  	v13 =	vld.idx.msk [tilespmem:v15+s18+$0x0], vm0  }
0x1b9: {  	v14 =	vor.u32 $0x300, v12  }
0x1ba: {  	v11 =	vor.u32 $0x380, v11;
	_ =	sdelay $0x1  }
.Ltmp19:
0x1bb: {  	(pc) =	sbr.rel @p0 .LBB2_22-.Ltmp19, $4  }
0x1bc: {  	_ = 	snop  }
0x1bd: {  	[tilespmem:v14+s21+$0x0] =	vst.idx.msk vm0, v13  }
0x1be: {  	v11 =	vld.idx.msk [tilespmem:v11+s18+$0x0], vm0  }
0x1bf: {  	v12 =	vor.u32 $0x380, v12  }
.Ltmp20:
0x1c0: {  	_ = 	snop;
	(pc) =	sbr.rel .LBB2_23-.Ltmp20, $1  }
0x1c1: {  	_ =	sdelay $0x3  }
.LBB2_25:
0x1c2: {  	_ = 	snop  }
0x1c3: {  	_ =	swait.ge [sflag:s22], $0x3400  }
0x1c4: {  	[sflag:s22] =	ssyncset.done $0x0  }
0x1c5: {  	[sflag:s22] =	ssyncadd.s32 $0xFFFFCC00  }
0x1c6: {  	v9 =	vld.idx.msk [tilespmem:v7+s20+$0x0], $0xffff;
	_ =	sdelay $0x4  }
0x1c7: {  	(v2sf) =	vpush v9, $0x0  }
0x1c8: {  	(v2sf) =	vpush v9, $0x1;
	_ =	sdelay $0xd  }
0x1c9: {  	s0 =	spop (v2sf)  }
0x1ca: {  	s2 =	spop (v2sf)  }
0x1cb: {  	s2 =	sadd.s32 $0xF, s2  }
0x1cc: {  	s5 =	sshra.s32 s0, $0x1F;
	s6 =	sshra.s32 s2, $0x1F  }
0x1cd: {  	s5 =	sshrl.u32 s5, $0x1C;
	s6 =	sshrl.u32 s6, $0x1C  }
0x1ce: {  	s0 =	sadd.s32 s5, s0;
	s2 =	sadd.s32 s6, s2  }
0x1cf: {  	s5 =	sshra.s32 s0, $0x4;
	s6 =	sshra.s32 s2, $0x4  }
0x1d0: {  	p0 =	sle.s32 s6, s5  }
.Ltmp21:
0x1d1: {  	_ = 	snop;
	(pc) =	sbr.rel @p0 .LBB2_29-.Ltmp21, $1  }
0x1d2: {  	_ =	sdelay $0x3  }
0x1d3: {  	s0 =	sshll.u32 s5, $0x6  }
0x1d4: {  	s2 =	sshra.s32 s0, $0x2  }
0x1d5: {  	s0 =	sadd.s32 $0x3000, s2  }
0x1d6: {  	v9 =	vld [tilespmem:s0+$0x0];
	_ =	sdelay $0x4  }
0x1d7: {  	v9 =	vadd.s32 $0xFFFE8000, v9  }
0x1d8: {  	vm0 =	vgt.s32 v9, $0x0  }
0x1d9: {  	v10 =	vnsel vm0, $0x0, v9  }
0x1da: {  	s2 =	sadd.s32 $0x4000, s2;
	v10 =	vmin.u32 v10, $0x67F  }
0x1db: {  	v12 =	vld [tilespmem:s2+$0x0];
	v11 =	vshll.u32 v10, $0x3  }
0x1dc: {  	vm0 =	vlt.u32 v9, $0x680;
	v9 =	vand.u32 $0x7F, v10;
	v10 =	vand.u32 $0x3C00, v11  }
0x1dd: {  	v9 =	vor.u32 v9, v10;
	_ =	sdelay $0x2  }
0x1de: {  	v10 =	vshll.u32 v12, $0x3  }
0x1df: {  	v11 =	vand.u32 $0x7F, v12;
	v10 =	vand.u32 $0xFFFFFC00, v10  }
0x1e0: {  	v10 =	vor.u32 v11, v10;
	v53 =	vld.idx.msk [tilespmem:v9+s16+$0x0], vm0  }
0x1e1: {  	v11 =	vor.u32 $0x80, v9;
	_ =	sdelay $0x3  }
0x1e2: {  	[tilespmem:v10+s21+$0x0] =	vst.idx.msk vm0, v53  }
0x1e3: {  	v54 =	vor.u32 $0x80, v10;
	v11 =	vld.idx.msk [tilespmem:v11+s16+$0x0], vm0  }
0x1e4: {  	v13 =	vor.u32 $0x100, v9;
	_ =	sdelay $0x3  }
0x1e5: {  	[tilespmem:v54+s21+$0x0] =	vst.idx.msk vm0, v11  }
0x1e6: {  	v55 =	vor.u32 $0x100, v10;
	v11 =	vld.idx.msk [tilespmem:v13+s16+$0x0], vm0  }
0x1e7: {  	v56 =	vor.u32 $0x180, v9;
	_ =	sdelay $0x3  }
0x1e8: {  	[tilespmem:v55+s21+$0x0] =	vst.idx.msk vm0, v11  }
0x1e9: {  	v57 =	vor.u32 $0x180, v10;
	v11 =	vld.idx.msk [tilespmem:v56+s16+$0x0], vm0  }
0x1ea: {  	v58 =	vor.u32 $0x200, v9;
	_ =	sdelay $0x3  }
0x1eb: {  	[tilespmem:v57+s21+$0x0] =	vst.idx.msk vm0, v11  }
0x1ec: {  	v59 =	vor.u32 $0x200, v10;
	v11 =	vld.idx.msk [tilespmem:v58+s16+$0x0], vm0  }
0x1ed: {  	v60 =	vor.u32 $0x280, v9;
	_ =	sdelay $0x3  }
0x1ee: {  	[tilespmem:v59+s21+$0x0] =	vst.idx.msk vm0, v11  }
0x1ef: {  	v61 =	vor.u32 $0x280, v10;
	v11 =	vld.idx.msk [tilespmem:v60+s16+$0x0], vm0  }
0x1f0: {  	v62 =	vor.u32 $0x300, v9;
	_ =	sdelay $0x3  }
0x1f1: {  	[tilespmem:v61+s21+$0x0] =	vst.idx.msk vm0, v11  }
0x1f2: {  	s31 =	ssub.s32 s6, s5;
	v63 =	vor.u32 $0x300, v10;
	v11 =	vld.idx.msk [tilespmem:v62+s16+$0x0], vm0  }
0x1f3: {  	p0 =	sne.s32 s31, $0x1;
	v9 =	vor.u32 $0x380, v9  }
.Ltmp22:
0x1f4: {  	_ = 	snop;
	(pc) =	sbr.rel @!p0 .LBB2_28-.Ltmp22, $3  }
0x1f5: {  	_ =	sdelay $0x1  }
0x1f6: {  	[tilespmem:v63+s21+$0x0] =	vst.idx.msk vm0, v11  }
0x1f7: {  	s5 =	sadd.s32 $0xFFFFFFFF, s31;
	v10 =	vor.u32 $0x380, v10;
	v9 =	vld.idx.msk [tilespmem:v9+s16+$0x0], vm0  }
.LBB2_27:
0x1f8: {  	_ =	sdelay $0x3  }
0x1f9: {  	p0 =	sne.s32 s5, $0x1;
	s0 =	sadd.s32 $0x10, s0;
	s2 =	sadd.s32 $0x10, s2;
	[tilespmem:v10+s21+$0x0] =	vst.idx.msk vm0, v9  }
0x1fa: {  	s5 =	sadd.s32 $0xFFFFFFFF, s5;
	v9 =	vld [tilespmem:s0+$0x0];
	_ =	sdelay $0x4  }
0x1fb: {  	v9 =	vadd.s32 $0xFFFE8000, v9  }
0x1fc: {  	vm0 =	vgt.s32 v9, $0x0  }
0x1fd: {  	v10 =	vnsel vm0, $0x0, v9  }
0x1fe: {  	v10 =	vmin.u32 v10, $0x67F  }
0x1ff: {  	v11 =	vshll.u32 v10, $0x3  }
0x200: {  	vm0 =	vlt.u32 v9, $0x680;
	v9 =	vand.u32 $0x7F, v10;
	v12 =	vld [tilespmem:s2+$0x0];
	v10 =	vand.u32 $0x3C00, v11  }
0x201: {  	v9 =	vor.u32 v9, v10;
	_ =	sdelay $0x3  }
0x202: {  	v10 =	vshll.u32 v12, $0x3  }
0x203: {  	v12 =	vand.u32 $0x7F, v12;
	v11 =	vld.idx.msk [tilespmem:v9+s16+$0x0], vm0;
	v10 =	vand.u32 $0xFFFFFC00, v10  }
0x204: {  	v10 =	vor.u32 v12, v10  }
0x205: {  	v12 =	vor.u32 $0x80, v9;
	_ =	sdelay $0x3  }
0x206: {  	[tilespmem:v10+s21+$0x0] =	vst.idx.msk vm0, v11  }
0x207: {  	v11 =	vld.idx.msk [tilespmem:v12+s16+$0x0], vm0  }
0x208: {  	v12 =	vor.u32 $0x80, v10  }
0x209: {  	v13 =	vor.u32 $0x100, v9;
	_ =	sdelay $0x3  }
0x20a: {  	[tilespmem:v12+s21+$0x0] =	vst.idx.msk vm0, v11  }
0x20b: {  	v11 =	vld.idx.msk [tilespmem:v13+s16+$0x0], vm0  }
0x20c: {  	v12 =	vor.u32 $0x100, v10  }
0x20d: {  	v13 =	vor.u32 $0x180, v9;
	_ =	sdelay $0x3  }
0x20e: {  	[tilespmem:v12+s21+$0x0] =	vst.idx.msk vm0, v11  }
0x20f: {  	v11 =	vld.idx.msk [tilespmem:v13+s16+$0x0], vm0  }
0x210: {  	v12 =	vor.u32 $0x180, v10  }
0x211: {  	v13 =	vor.u32 $0x200, v9;
	_ =	sdelay $0x3  }
0x212: {  	[tilespmem:v12+s21+$0x0] =	vst.idx.msk vm0, v11  }
0x213: {  	v11 =	vld.idx.msk [tilespmem:v13+s16+$0x0], vm0  }
0x214: {  	v12 =	vor.u32 $0x200, v10  }
0x215: {  	v13 =	vor.u32 $0x280, v9;
	_ =	sdelay $0x3  }
0x216: {  	[tilespmem:v12+s21+$0x0] =	vst.idx.msk vm0, v11  }
0x217: {  	v11 =	vld.idx.msk [tilespmem:v13+s16+$0x0], vm0  }
0x218: {  	v12 =	vor.u32 $0x280, v10  }
0x219: {  	v13 =	vor.u32 $0x300, v9;
	_ =	sdelay $0x3  }
0x21a: {  	[tilespmem:v12+s21+$0x0] =	vst.idx.msk vm0, v11  }
0x21b: {  	v11 =	vld.idx.msk [tilespmem:v13+s16+$0x0], vm0  }
0x21c: {  	v12 =	vor.u32 $0x300, v10  }
0x21d: {  	v9 =	vor.u32 $0x380, v9;
	_ =	sdelay $0x1  }
.Ltmp23:
0x21e: {  	(pc) =	sbr.rel @p0 .LBB2_27-.Ltmp23, $4  }
0x21f: {  	_ = 	snop  }
0x220: {  	[tilespmem:v12+s21+$0x0] =	vst.idx.msk vm0, v11  }
0x221: {  	v9 =	vld.idx.msk [tilespmem:v9+s16+$0x0], vm0  }
0x222: {  	v10 =	vor.u32 $0x380, v10  }
.LBB2_28:
0x223: {  	_ =	sdelay $0x4  }
0x224: {  	[tilespmem:v10+s21+$0x0] =	vst.idx.msk vm0, v9  }
.LBB2_29:
0x225: {  	_ = 	snop  }
0x226: {  	_ =	swait.ge [sflag:s22], $0x400  }
0x227: {  	[sflag:s22] =	ssyncset.done $0x0  }
0x228: {  	[sflag:s22] =	ssyncadd.s32 $0xFFFFFC00  }
0x229: {  	v9 =	vld.idx.msk [tilespmem:v8+s20+$0x0], $0xffff;
	_ =	sdelay $0x4  }
0x22a: {  	(v2sf) =	vpush v9, $0x0  }
0x22b: {  	(v2sf) =	vpush v9, $0x1;
	_ =	sdelay $0xd  }
0x22c: {  	s0 =	spop (v2sf)  }
0x22d: {  	s2 =	spop (v2sf)  }
0x22e: {  	s2 =	sadd.s32 $0xF, s2  }
0x22f: {  	s5 =	sshra.s32 s0, $0x1F;
	s6 =	sshra.s32 s2, $0x1F  }
0x230: {  	s5 =	sshrl.u32 s5, $0x1C;
	s6 =	sshrl.u32 s6, $0x1C  }
0x231: {  	s0 =	sadd.s32 s5, s0;
	s2 =	sadd.s32 s6, s2  }
0x232: {  	s5 =	sshra.s32 s0, $0x4;
	s6 =	sshra.s32 s2, $0x4  }
0x233: {  	p0 =	sle.s32 s6, s5  }
.Ltmp24:
0x234: {  	_ = 	snop;
	(pc) =	sbr.rel @p0 .LBB2_33-.Ltmp24, $1  }
0x235: {  	_ =	sdelay $0x3  }
0x236: {  	s0 =	sshll.u32 s5, $0x6  }
0x237: {  	s2 =	sshra.s32 s0, $0x2  }
0x238: {  	s0 =	sadd.s32 $0x3000, s2  }
0x239: {  	v9 =	vld [tilespmem:s0+$0x0];
	_ =	sdelay $0x4  }
0x23a: {  	s2 =	sadd.s32 $0x4000, s2;
	v10 =	vadd.s32 $0xFFFE7980, v9  }
0x23b: {  	v11 =	vld [tilespmem:s2+$0x0];
	v9 =	vand.u32 $0xFFFFFFE0, v9;
	vm1 =	vgt.s32 v10, $0x0  }
0x23c: {  	vm0 =	veq.s32 v9, $0x18680;
	v9 =	vnsel vm1, $0x0, v10  }
0x23d: {  	v9 =	vmin.u32 v9, $0x1F;
	_ =	sdelay $0x2  }
0x23e: {  	v10 =	vshll.u32 v11, $0x3  }
0x23f: {  	v11 =	vand.u32 $0x7F, v11;
	v10 =	vand.u32 $0xFFFFFC00, v10  }
0x240: {  	v10 =	vor.u32 v11, v10;
	v12 =	vld.idx.msk [tilespmem:v9+s17+$0x0], vm0  }
0x241: {  	v11 =	vor.u32 $0x80, v9;
	_ =	sdelay $0x3  }
0x242: {  	[tilespmem:v10+s21+$0x0] =	vst.idx.msk vm0, v12  }
0x243: {  	v54 =	vor.u32 $0x80, v10;
	v11 =	vld.idx.msk [tilespmem:v11+s17+$0x0], vm0  }
0x244: {  	v13 =	vor.u32 $0x100, v9;
	_ =	sdelay $0x3  }
0x245: {  	[tilespmem:v54+s21+$0x0] =	vst.idx.msk vm0, v11  }
0x246: {  	v55 =	vor.u32 $0x100, v10;
	v11 =	vld.idx.msk [tilespmem:v13+s17+$0x0], vm0  }
0x247: {  	v56 =	vor.u32 $0x180, v9;
	_ =	sdelay $0x3  }
0x248: {  	[tilespmem:v55+s21+$0x0] =	vst.idx.msk vm0, v11  }
0x249: {  	v57 =	vor.u32 $0x180, v10;
	v11 =	vld.idx.msk [tilespmem:v56+s17+$0x0], vm0  }
0x24a: {  	v58 =	vor.u32 $0x200, v9;
	_ =	sdelay $0x3  }
0x24b: {  	[tilespmem:v57+s21+$0x0] =	vst.idx.msk vm0, v11  }
0x24c: {  	v59 =	vor.u32 $0x200, v10;
	v11 =	vld.idx.msk [tilespmem:v58+s17+$0x0], vm0  }
0x24d: {  	v60 =	vor.u32 $0x280, v9;
	_ =	sdelay $0x3  }
0x24e: {  	[tilespmem:v59+s21+$0x0] =	vst.idx.msk vm0, v11  }
0x24f: {  	v61 =	vor.u32 $0x280, v10;
	v11 =	vld.idx.msk [tilespmem:v60+s17+$0x0], vm0  }
0x250: {  	v62 =	vor.u32 $0x300, v9;
	_ =	sdelay $0x3  }
0x251: {  	[tilespmem:v61+s21+$0x0] =	vst.idx.msk vm0, v11  }
0x252: {  	v63 =	vor.u32 $0x300, v10;
	v11 =	vld.idx.msk [tilespmem:v62+s17+$0x0], vm0  }
0x253: {  	v9 =	vor.u32 $0x380, v9;
	_ =	sdelay $0x2  }
0x254: {  	s31 =	ssub.s32 s6, s5  }
0x255: {  	p0 =	sne.s32 s31, $0x1;
	[tilespmem:v63+s21+$0x0] =	vst.idx.msk vm0, v11  }
.Ltmp25:
0x256: {  	v10 =	vor.u32 $0x380, v10;
	v9 =	vld.idx.msk [tilespmem:v9+s17+$0x0], vm0;
	(pc) =	sbr.rel @!p0 .LBB2_32-.Ltmp25, $2  }
0x257: {  	_ =	sdelay $0x2  }
0x258: {  	s5 =	sadd.s32 $0xFFFFFFFF, s31  }
.LBB2_31:
0x259: {  	p0 =	sne.s32 s5, $0x1;
	[tilespmem:v10+s21+$0x0] =	vst.idx.msk vm0, v9;
	s0 =	sadd.s32 $0x10, s0;
	s2 =	sadd.s32 $0x10, s2  }
0x25a: {  	s5 =	sadd.s32 $0xFFFFFFFF, s5;
	v9 =	vld [tilespmem:s0+$0x0];
	_ =	sdelay $0x4  }
0x25b: {  	v10 =	vand.u32 $0xFFFFFFE0, v9;
	v9 =	vadd.s32 $0xFFFE7980, v9  }
0x25c: {  	vm1 =	vgt.s32 v9, $0x0  }
0x25d: {  	vm0 =	veq.s32 v10, $0x18680;
	v11 =	vld [tilespmem:s2+$0x0];
	v9 =	vnsel vm1, $0x0, v9  }
0x25e: {  	v9 =	vmin.u32 v9, $0x1F;
	_ =	sdelay $0x3  }
0x25f: {  	v10 =	vshll.u32 v11, $0x3  }
0x260: {  	v11 =	vand.u32 $0x7F, v11;
	v12 =	vld.idx.msk [tilespmem:v9+s17+$0x0], vm0;
	v10 =	vand.u32 $0xFFFFFC00, v10  }
0x261: {  	v10 =	vor.u32 v11, v10  }
0x262: {  	v11 =	vor.u32 $0x80, v9;
	_ =	sdelay $0x3  }
0x263: {  	[tilespmem:v10+s21+$0x0] =	vst.idx.msk vm0, v12  }
0x264: {  	v11 =	vld.idx.msk [tilespmem:v11+s17+$0x0], vm0  }
0x265: {  	v12 =	vor.u32 $0x80, v10  }
0x266: {  	v13 =	vor.u32 $0x100, v9;
	_ =	sdelay $0x3  }
0x267: {  	[tilespmem:v12+s21+$0x0] =	vst.idx.msk vm0, v11  }
0x268: {  	v11 =	vld.idx.msk [tilespmem:v13+s17+$0x0], vm0  }
0x269: {  	v12 =	vor.u32 $0x100, v10  }
0x26a: {  	v13 =	vor.u32 $0x180, v9;
	_ =	sdelay $0x3  }
0x26b: {  	[tilespmem:v12+s21+$0x0] =	vst.idx.msk vm0, v11  }
0x26c: {  	v11 =	vld.idx.msk [tilespmem:v13+s17+$0x0], vm0  }
0x26d: {  	v12 =	vor.u32 $0x180, v10  }
0x26e: {  	v13 =	vor.u32 $0x200, v9;
	_ =	sdelay $0x3  }
0x26f: {  	[tilespmem:v12+s21+$0x0] =	vst.idx.msk vm0, v11  }
0x270: {  	v11 =	vld.idx.msk [tilespmem:v13+s17+$0x0], vm0  }
0x271: {  	v12 =	vor.u32 $0x200, v10  }
0x272: {  	v13 =	vor.u32 $0x280, v9;
	_ =	sdelay $0x3  }
0x273: {  	[tilespmem:v12+s21+$0x0] =	vst.idx.msk vm0, v11  }
0x274: {  	v11 =	vld.idx.msk [tilespmem:v13+s17+$0x0], vm0  }
0x275: {  	v12 =	vor.u32 $0x280, v10  }
0x276: {  	v13 =	vor.u32 $0x300, v9;
	_ =	sdelay $0x3  }
0x277: {  	[tilespmem:v12+s21+$0x0] =	vst.idx.msk vm0, v11  }
0x278: {  	v11 =	vld.idx.msk [tilespmem:v13+s17+$0x0], vm0  }
0x279: {  	v12 =	vor.u32 $0x300, v10  }
0x27a: {  	v9 =	vor.u32 $0x380, v9;
	_ =	sdelay $0x1  }
.Ltmp26:
0x27b: {  	(pc) =	sbr.rel @p0 .LBB2_31-.Ltmp26, $4  }
0x27c: {  	_ = 	snop  }
0x27d: {  	[tilespmem:v12+s21+$0x0] =	vst.idx.msk vm0, v11  }
0x27e: {  	v9 =	vld.idx.msk [tilespmem:v9+s17+$0x0], vm0  }
0x27f: {  	v10 =	vor.u32 $0x380, v10  }
.Ltmp27:
0x280: {  	_ = 	snop;
	(pc) =	sbr.rel .LBB2_32-.Ltmp27, $1  }
0x281: {  	_ =	sdelay $0x3  }
.LBB2_36:
0x282: {  	_ =	sfence.sel $0x180000  }
0x283: {  	[bflag:$0x0] =	sbarrier.arrive $0xFFFF  }
0x284: {  	_ =	strace $0x90000047  }
0x285: {  	s0 =	stileid.u32;
	[bflag:$0x2] =	sbarrier.arrive $0xFFFF  }
0x286: {  	p0 =	sne.s32 s0, $0x0;
	s0 =	rddreg [dreg:$0x3]  }
0x287: {  	s0 =	sadd.s32 @!p0 $0x100000, s0  }
0x288: {  	[sflag:s0] =	ssyncadd.tile.s32 @!p0 $0x1;
	_ =	shalt  }
.Lfunc_end2:
_tile_overlayer_lowered:
.L_overlay_start_2:
0x289: {  	(tag) =	ssettag $0x2  }
0x28a: {  	s0 =	rddreg [dreg:$0x0];
	s2 =	stileid.u32  }
0x28b: {  	s1 =	rddreg [dreg:$0x1];
	p0 =	sne.s32 s2, $0x0  }
0x28c: {  	s3 =	rddreg [dreg:$0x2];
	[bflag:$0x3] =	sbarrier.arrive $0xFFFF;
	s2 =	simm.s32 @!p0 $0x1C03  }
0x28d: {  	[timem:s3], [sflag:s2] =	dma.local @!p0 [hbm:s0], s1  }
0x28e: {  	s0 =	simm.s32 @!p0 $0x3  }
0x28f: {  	_ =	swait.ge @!p0 [sflag:s0], s1  }
0x290: {  	s1 =	ssub.s32 @!p0 $0x0, s1;
	[sflag:s0] =	ssyncset.done @!p0 $0x0  }
0x291: {  	[sflag:s0] =	ssyncadd.s32 @!p0 s1  }
0x292: {  	[bflag:$0x3] =	sbarrier.arrive $0xFFFF  }
0x293: {  	_ =	shalt  }

</sc_bundles>
